<compile_context>
chip_gen: v7x
topology: tpu7x:2x2x1
jax: 0.10.2.dev20260603
libtpu: 0.0.44.dev20260713+nightly
codegen_flags: <defaults>
</compile_context>

<pallas_src>
import jax
import jax.numpy as jnp
from jax import lax
from jax.experimental import pallas as pl
from jax.experimental.pallas import tpu as pltpu
from jax.experimental.pallas import tpu_sc as plsc

N = 10000
E = 320000
D = 128

NC = 2
NS = 16
NW = NC * NS
CH = 128
E_ROWS = E // CH
IDX_ROWS = 2560
ROWS_MAIN = IDX_ROWS // NW
IDXB = 40
ACC_ROWS = 10240
SUB_ROWS = ACC_ROWS // NS
DEG_ROWS = 10240
DEG_SUB = DEG_ROWS // NS

import numpy as _np
_PAD_E = (IDX_ROWS - E_ROWS) * CH
_PAD3 = _np.stack([
    _np.arange(_PAD_E, dtype=_np.int32) % N,
    N + _np.arange(_PAD_E, dtype=_np.int32) % (ACC_ROWS - N),
]).reshape(2, IDX_ROWS - E_ROWS, CH)

_mesh = plsc.VectorSubcoreMesh(core_axis_name="c", subcore_axis_name="s")


def _deg_body(ei_hbm, degp_hbm, colbuf, hist, sbuf, obuf, shared, sem):
    cid = lax.axis_index("c")
    sid = lax.axis_index("s")
    wid = cid * NS + sid
    base = wid * ROWS_MAIN
    pltpu.async_copy(ei_hbm.at[1, pl.ds(base, ROWS_MAIN)], colbuf,
                     sem).wait()

    zeros16v = jnp.zeros((16,), jnp.float32)

    @pl.loop(0, DEG_ROWS, step=16)
    def _(i):
        hist[pl.ds(i, 16)] = zeros16v

    ones16v = jnp.ones((16,), jnp.float32)

    @pl.loop(0, ROWS_MAIN)
    def _(j):
        @pl.loop(0, CH, step=16)
        def _(i):
            v = colbuf[j, pl.ds(i, 16)]
            plsc.addupdate_scatter(hist, [v], ones16v)

    pltpu.sync_copy(hist, shared.at[sid])
    plsc.subcore_barrier()
    pltpu.async_copy(shared.at[:, pl.ds(sid * DEG_SUB, DEG_SUB)], sbuf,
                     sem).wait()

    @pl.loop(0, DEG_SUB, step=16)
    def _(c):
        s = sbuf[0, pl.ds(c, 16)]
        for r in range(1, NS):
            s = s + sbuf[r, pl.ds(c, 16)]
        obuf[pl.ds(c, 16)] = s

    pltpu.async_copy(obuf, degp_hbm.at[cid, pl.ds(sid * DEG_SUB, DEG_SUB)],
                     sem).wait()


def _deg_call(ei3):
    return pl.kernel(
        _deg_body,
        out_type=jax.ShapeDtypeStruct((NC, DEG_ROWS), jnp.float32),
        mesh=_mesh,
        compiler_params=pltpu.CompilerParams(needs_layout_passes=False),
        scratch_types=[
            pltpu.VMEM((ROWS_MAIN, CH), jnp.int32),
            pltpu.VMEM((DEG_ROWS,), jnp.float32),
            pltpu.VMEM((NS, DEG_SUB), jnp.float32),
            pltpu.VMEM((DEG_SUB,), jnp.float32),
            pltpu.VMEM_SHARED((NS, DEG_ROWS), jnp.float32),
            pltpu.SemaphoreType.DMA,
        ],
    )(ei3)


def _agg_body(h2_hbm, ei_hbm, zeros_hbm, accp_hbm,
              rowbuf, colbuf, g0, g1, acc, sem_i, sem0, sem1):
    cid = lax.axis_index("c")
    sid = lax.axis_index("s")
    wid = cid * NS + sid
    base = wid * ROWS_MAIN
    pltpu.async_copy(zeros_hbm, acc.at[pl.ds(sid * SUB_ROWS, SUB_ROWS)],
                     sem_i).wait()
    plsc.subcore_barrier()

    @pl.loop(0, ROWS_MAIN, step=IDXB)
    def _(k):
        pltpu.async_copy(ei_hbm.at[0, pl.ds(base + k, IDXB)], rowbuf, sem_i)
        pltpu.async_copy(ei_hbm.at[1, pl.ds(base + k, IDXB)], colbuf, sem_i)
        pltpu.make_async_copy(ei_hbm.at[0, pl.ds(base + k, IDXB)], rowbuf,
                              sem_i).wait()
        pltpu.make_async_copy(ei_hbm.at[1, pl.ds(base + k, IDXB)], colbuf,
                              sem_i).wait()

        pltpu.async_copy(h2_hbm.at[rowbuf.at[0]], g0, sem0)

        @pl.loop(0, IDXB, step=2)
        def _(j):
            pltpu.async_copy(h2_hbm.at[rowbuf.at[j + 1]], g1, sem1)
            pltpu.make_async_copy(h2_hbm.at[rowbuf.at[j]], g0, sem0).wait()

            @pl.when(j + 2 < IDXB)
            def _():
                pltpu.async_copy(h2_hbm.at[rowbuf.at[j + 2]], g0, sem0)

            pltpu.make_async_copy(h2_hbm.at[rowbuf.at[j + 1]], g1,
                                  sem1).wait()

    plsc.subcore_barrier()
    pltpu.async_copy(acc.at[pl.ds(sid * SUB_ROWS, SUB_ROWS)],
                     accp_hbm.at[cid, pl.ds(sid * SUB_ROWS, SUB_ROWS)],
                     sem_i).wait()


def _agg_call(h2, ei3, zeros128):
    return pl.kernel(
        _agg_body,
        out_type=jax.ShapeDtypeStruct((NC, ACC_ROWS, D), jnp.float32),
        mesh=_mesh,
        scratch_types=[
            pltpu.VMEM((IDXB, CH), jnp.int32),
            pltpu.VMEM((IDXB, CH), jnp.int32),
            pltpu.VMEM((CH, D), jnp.float32),
            pltpu.VMEM((CH, D), jnp.float32),
            pltpu.VMEM_SHARED((ACC_ROWS, D), jnp.float32),
            pltpu.SemaphoreType.DMA,
            pltpu.SemaphoreType.DMA,
            pltpu.SemaphoreType.DMA,
        ],
    )(h2, ei3, zeros128)


_BLK = 1000


def _h2_kernel(x_ref, wt_ref, d0_ref, d1_ref, o_ref):
    deg = 1.0 + d0_ref[:, 0] + d1_ref[:, 0]
    dis = lax.rsqrt(deg)
    h = jnp.dot(x_ref[...], wt_ref[...], preferred_element_type=jnp.float32)
    o_ref[...] = h * dis[:, None]


def _h2_call(x, wt, d0, d1):
    return pl.pallas_call(
        _h2_kernel,
        grid=(N // _BLK,),
        in_specs=[
            pl.BlockSpec((_BLK, D), lambda i: (i, 0)),
            pl.BlockSpec((D, D), lambda i: (0, 0)),
            pl.BlockSpec((_BLK, 1), lambda i: (i, 0)),
            pl.BlockSpec((_BLK, 1), lambda i: (i, 0)),
        ],
        out_specs=pl.BlockSpec((_BLK, D), lambda i: (i, 0)),
        out_shape=jax.ShapeDtypeStruct((N, D), jnp.float32),
    )(x, wt, d0, d1)


def _epilogue_kernel(ap_ref, h2_ref, d0_ref, d1_ref, b_ref, p_ref, o_ref):
    deg = 1.0 + d0_ref[:, 0] + d1_ref[:, 0]
    dis = lax.rsqrt(deg)
    v = (ap_ref[0] + ap_ref[1] + h2_ref[...]) * dis[:, None] + b_ref[...]
    o_ref[...] = jnp.where(v >= 0, v, p_ref[0, 0] * v)


def _epilogue_call(accp, h2, d0, d1, bias2d, prelu2d):
    return pl.pallas_call(
        _epilogue_kernel,
        grid=(N // _BLK,),
        in_specs=[
            pl.BlockSpec((NC, _BLK, D), lambda i: (0, i, 0)),
            pl.BlockSpec((_BLK, D), lambda i: (i, 0)),
            pl.BlockSpec((_BLK, 1), lambda i: (i, 0)),
            pl.BlockSpec((_BLK, 1), lambda i: (i, 0)),
            pl.BlockSpec((1, D), lambda i: (0, 0)),
            pl.BlockSpec((1, 1), lambda i: (0, 0), memory_space=pltpu.SMEM),
        ],
        out_specs=pl.BlockSpec((_BLK, D), lambda i: (i, 0)),
        out_shape=jax.ShapeDtypeStruct((N, D), jnp.float32),
    )(accp, h2, d0, d1, bias2d, prelu2d)


def kernel(x, edge_index, W, bias, prelu_a):
    ei3 = jnp.concatenate(
        [edge_index.astype(jnp.int32).reshape(2, E_ROWS, CH), _PAD3], axis=1)
    zeros128 = jnp.zeros((SUB_ROWS, D), jnp.float32)

    degp = _deg_call(ei3)
    d0 = degp[0].reshape(DEG_ROWS, 1)
    d1 = degp[1].reshape(DEG_ROWS, 1)

    h2 = _h2_call(x, W.T, d0, d1)

    accp = _agg_call(h2, ei3, zeros128)

    bias2d = bias.reshape(1, D)
    prelu2d = prelu_a.reshape(1, 1)
    return _epilogue_call(accp, h2, d0, d1, bias2d, prelu2d)

# --- scband reference (transcript-rebuilt; emitter-appended) ---
"""Pipeline reference for scband-he-co-gcnconv-38439957299970 (READ-ONLY COPY).

The authoritative reference and input builder live on the scoring server;
editing this copy changes nothing except your own understanding.
"""

import jax, jax.numpy as jnp
import numpy as np

N_NODES = 10000
N_EDGES = 320000
IN_FT = 128
OUT_FT = 128


def setup_inputs(seed: int = 0) -> dict:
    key = jax.random.key(seed)
    k1, k2, k3, k4 = jax.random.split(key, 4)
    x = jax.random.normal(k1, (N_NODES, IN_FT), dtype=jnp.float32)
    edge_index = jax.random.randint(k2, (2, N_EDGES), 0, N_NODES, dtype=jnp.int64)
    # xavier_normal_ with gain=1.414 on lin.weight of shape [out_ft, in_ft]
    std = 1.414 * np.sqrt(2.0 / (IN_FT + OUT_FT))
    W = jax.random.normal(k3, (OUT_FT, IN_FT), dtype=jnp.float32) * std
    bias = jnp.zeros((OUT_FT,), dtype=jnp.float32)  # conv.bias filled with 0.0
    prelu_a = jnp.full((1,), 0.25, dtype=jnp.float32)  # PReLU default init
    return {"x": x, "edge_index": edge_index, "W": W, "bias": bias, "prelu_a": prelu_a}


def reference(x, edge_index, W, bias, prelu_a):
    N = x.shape[0]
    # GCNConv: add self-loops
    self_loops = jnp.arange(N, dtype=edge_index.dtype)
    row = jnp.concatenate([edge_index[0], self_loops])  # source
    col = jnp.concatenate([edge_index[1], self_loops])  # target
    # symmetric normalization: deg computed on target nodes (flow source_to_target)
    deg = jnp.zeros((N,), dtype=jnp.float32).at[col].add(1.0)
    deg_inv_sqrt = jnp.where(deg > 0, jax.lax.rsqrt(jnp.maximum(deg, 1e-12)), 0.0)
    norm = deg_inv_sqrt[row] * deg_inv_sqrt[col]
    # linear transform (lin has no bias; GCNConv bias added after aggregation)
    h = x @ W.T
    # message: norm * h[src], scatter-add to dst
    msg = h[row] * norm[:, None]
    out = jnp.zeros((N, W.shape[0]), dtype=jnp.float32).at[col].add(msg)
    out = out + bias
    # PReLU with single learned parameter
    a = prelu_a[0]
    return jnp.where(out >= 0, out, a * out)

if __name__ == "__main__":
    import jax
    _d = setup_inputs()
    print(jax.jit(kernel)(*tuple(_d.values())))

</pallas_src>

<mosaic_0001>
#map = affine_map<(d0, d1) -> (0, 0, 0)>
#map1 = affine_map<(d0, d1) -> (0, 0)>
module attributes {stable_mosaic.version = 14 : i64} {
  func.func @_deg_body(%arg0: i32, %arg1: i32, %arg2: memref<2x2560x128xi32, #tpu.memory_space<hbm>>, %arg3: memref<2x10240xf32, #tpu.memory_space<hbm>>, %arg4: memref<80x128xi32, #tpu.memory_space<vmem>>, %arg5: memref<10240xf32, #tpu.memory_space<vmem>>, %arg6: memref<16x640xf32, #tpu.memory_space<vmem>>, %arg7: memref<640xf32, #tpu.memory_space<vmem>>, %arg8: memref<16x10240xf32, #tpu.memory_space<vmem_shared>>, %arg9: memref<!tpu.dma_semaphore, #tpu.memory_space<semaphore_mem>>) attributes {dimension_semantics = [#tpu.dimension_semantics<core_parallel>, #tpu.dimension_semantics<subcore_parallel>], iteration_bounds = array<i64: 2, 16>, scalar_prefetch = 0 : i64, scratch_operands = 6 : i64, tpu.core_type = #tpu.core_type<sc_vector_subcore>, window_params = [{transform_indices = #map}, {transform_indices = #map1}]} {
    %mul3A = arith.constant 16 : i32
    %mul3A_0 = arith.muli %arg0, %mul3A : i32
    %add3A = arith.addi %mul3A_0, %arg1 : i32
    %mul3A_1 = arith.constant 80 : i32
    %mul3A_2 = arith.muli %add3A, %mul3A_1 : i32
    %dma_start3A = arith.constant 1 : i32
    %dma_start3A_3 = arith.constant 0 : i32
    %dma_start3A_4 = tpu.memref_slice %arg2[%dma_start3A, %mul3A_2, %dma_start3A_3] : memref<2x2560x128xi32, #tpu.memory_space<hbm>> -> memref<1x80x128xi32, #tpu.memory_space<hbm>>
    %dma_start3A_5 = tpu.memref_squeeze %dma_start3A_4 : memref<1x80x128xi32, #tpu.memory_space<hbm>> -> memref<80x128xi32, #tpu.memory_space<hbm>>
    %dma_start3A_6 = arith.constant 0 : i32
    %dma_start3A_7 = tpu.memref_slice %arg2[%dma_start3A, %mul3A_2, %dma_start3A_6] : memref<2x2560x128xi32, #tpu.memory_space<hbm>> -> memref<1x80x128xi32, #tpu.memory_space<hbm>>
    %dma_start3A_8 = tpu.memref_squeeze %dma_start3A_7 : memref<1x80x128xi32, #tpu.memory_space<hbm>> -> memref<80x128xi32, #tpu.memory_space<hbm>>
    tpu.enqueue_dma source(%dma_start3A_8 : memref<80x128xi32, #tpu.memory_space<hbm>>) target(%arg4 : memref<80x128xi32, #tpu.memory_space<vmem>>) target_semaphore(%arg9 : memref<!tpu.dma_semaphore, #tpu.memory_space<semaphore_mem>>)
    %dma_wait3A = arith.constant 1 : i32
    %dma_wait3A_9 = arith.constant 0 : i32
    %dma_wait3A_10 = tpu.memref_slice %arg2[%dma_wait3A, %mul3A_2, %dma_wait3A_9] : memref<2x2560x128xi32, #tpu.memory_space<hbm>> -> memref<1x80x128xi32, #tpu.memory_space<hbm>>
    %dma_wait3A_11 = tpu.memref_squeeze %dma_wait3A_10 : memref<1x80x128xi32, #tpu.memory_space<hbm>> -> memref<80x128xi32, #tpu.memory_space<hbm>>
    %dma_wait3A_12 = arith.constant 0 : i32
    %dma_wait3A_13 = tpu.memref_slice %arg2[%dma_wait3A, %mul3A_2, %dma_wait3A_12] : memref<2x2560x128xi32, #tpu.memory_space<hbm>> -> memref<1x80x128xi32, #tpu.memory_space<hbm>>
    %dma_wait3A_14 = tpu.memref_squeeze %dma_wait3A_13 : memref<1x80x128xi32, #tpu.memory_space<hbm>> -> memref<80x128xi32, #tpu.memory_space<hbm>>
    tpu.wait_dma2 semaphore(%arg9 : memref<!tpu.dma_semaphore, #tpu.memory_space<semaphore_mem>>) src(%dma_wait3A_14 : memref<80x128xi32, #tpu.memory_space<hbm>>) dst(%arg4 : memref<80x128xi32, #tpu.memory_space<vmem>>)
    %broadcast_in_dim3A = arith.constant 0.000000e+00 : f32
    %broadcast_in_dim3A_15 = vector.broadcast %broadcast_in_dim3A : f32 to vector<16xf32>
    %scan3A = arith.constant 0 : i32
    %scan3A_16 = arith.constant 640 : i32
    %scan3A_17 = arith.addi %scan3A, %scan3A_16 : i32
    %scan3A_18 = arith.constant 1 : i32
    scf.for %scan3A_52 = %scan3A to %scan3A_17 step %scan3A_18  : i32 {
      %mul3A_53 = arith.constant 16 : i32
      %mul3A_54 = arith.muli %scan3A_52, %mul3A_53 : i32
      %add3A_55 = arith.constant 0 : i32
      %add3A_56 = arith.addi %add3A_55, %mul3A_54 : i32
      %swap3A = arith.index_cast %add3A_56 : i32 to index
      %swap3A_57 = tpu.vector_load %arg5[%swap3A] {strides = array<i32>} : memref<10240xf32, #tpu.memory_space<vmem>>, vector<16xf32>,
      tpu.vector_store %arg5[%swap3A], %broadcast_in_dim3A_15 {strides = array<i32>} : memref<10240xf32, #tpu.memory_space<vmem>>, vector<16xf32>,
    }
    %scan3A_19 = arith.constant 640 : i32
    %broadcast_in_dim3A_20 = arith.constant 1.000000e+00 : f32
    %broadcast_in_dim3A_21 = vector.broadcast %broadcast_in_dim3A_20 : f32 to vector<16xf32>
    %scan3A_22 = arith.constant 0 : i32
    %scan3A_23 = arith.constant 80 : i32
    %scan3A_24 = arith.addi %scan3A_22, %scan3A_23 : i32
    %scan3A_25 = arith.constant 1 : i32
    scf.for %scan3A_52 = %scan3A_22 to %scan3A_24 step %scan3A_25  : i32 {
      %mul3A_53 = arith.constant 1 : i32
      %mul3A_54 = arith.muli %scan3A_52, %mul3A_53 : i32
      %add3A_55 = arith.constant 0 : i32
      %add3A_56 = arith.addi %add3A_55, %mul3A_54 : i32
      %scan3A_57 = arith.constant 0 : i32
      %scan3A_58 = arith.constant 8 : i32
      %scan3A_59 = arith.addi %scan3A_57, %scan3A_58 : i32
      %scan3A_60 = arith.constant 1 : i32
      scf.for %scan3A_62 = %scan3A_57 to %scan3A_59 step %scan3A_60  : i32 {
        %mul3A_63 = arith.constant 16 : i32
        %mul3A_64 = arith.muli %scan3A_62, %mul3A_63 : i32
        %add3A_65 = arith.constant 0 : i32
        %add3A_66 = arith.addi %add3A_65, %mul3A_64 : i32
        %get3A = arith.index_cast %add3A_56 : i32 to index
        %get3A_67 = arith.index_cast %add3A_66 : i32 to index
        %get3A_68 = tpu.vector_load %arg4[%get3A, %get3A_67] {strides = array<i32>} : memref<80x128xi32, #tpu.memory_space<vmem>>, vector<16xi32>,
        tpu.vector_store_idx %arg5[%get3A_68], %broadcast_in_dim3A_21 {add = true} : memref<10240xf32, #tpu.memory_space<vmem>>[vector<16xi32>], vector<16xf32>,
      }
      %scan3A_61 = arith.constant 8 : i32
    }
    %scan3A_26 = arith.constant 80 : i32
    "tpu.region"() ({
      %run_scoped3A = tpu.sem_alloc : memref<!tpu.dma_semaphore, #tpu.memory_space<semaphore_mem>>
      %dma_start3A_52 = arith.constant 0 : i32
      %dma_start3A_53 = tpu.memref_slice %arg8[%arg1, %dma_start3A_52] : memref<16x10240xf32, #tpu.memory_space<vmem_shared>> -> memref<1x10240xf32, #tpu.memory_space<vmem_shared>>
      %dma_start3A_54 = tpu.memref_squeeze %dma_start3A_53 : memref<1x10240xf32, #tpu.memory_space<vmem_shared>> -> memref<10240xf32, #tpu.memory_space<vmem_shared>>
      %dma_start3A_55 = arith.constant 0 : i32
      %dma_start3A_56 = tpu.memref_slice %arg8[%arg1, %dma_start3A_55] : memref<16x10240xf32, #tpu.memory_space<vmem_shared>> -> memref<1x10240xf32, #tpu.memory_space<vmem_shared>>
      %dma_start3A_57 = tpu.memref_squeeze %dma_start3A_56 : memref<1x10240xf32, #tpu.memory_space<vmem_shared>> -> memref<10240xf32, #tpu.memory_space<vmem_shared>>
      tpu.enqueue_dma source(%arg5 : memref<10240xf32, #tpu.memory_space<vmem>>) target(%dma_start3A_57 : memref<10240xf32, #tpu.memory_space<vmem_shared>>) target_semaphore(%run_scoped3A : memref<!tpu.dma_semaphore, #tpu.memory_space<semaphore_mem>>)
      %dma_wait3A_58 = arith.constant 0 : i32
      %dma_wait3A_59 = tpu.memref_slice %arg8[%arg1, %dma_wait3A_58] : memref<16x10240xf32, #tpu.memory_space<vmem_shared>> -> memref<1x10240xf32, #tpu.memory_space<vmem_shared>>
      %dma_wait3A_60 = tpu.memref_squeeze %dma_wait3A_59 : memref<1x10240xf32, #tpu.memory_space<vmem_shared>> -> memref<10240xf32, #tpu.memory_space<vmem_shared>>
      %dma_wait3A_61 = arith.constant 0 : i32
      %dma_wait3A_62 = tpu.memref_slice %arg8[%arg1, %dma_wait3A_61] : memref<16x10240xf32, #tpu.memory_space<vmem_shared>> -> memref<1x10240xf32, #tpu.memory_space<vmem_shared>>
      %dma_wait3A_63 = tpu.memref_squeeze %dma_wait3A_62 : memref<1x10240xf32, #tpu.memory_space<vmem_shared>> -> memref<10240xf32, #tpu.memory_space<vmem_shared>>
      tpu.wait_dma2 semaphore(%run_scoped3A : memref<!tpu.dma_semaphore, #tpu.memory_space<semaphore_mem>>) src(%arg5 : memref<10240xf32, #tpu.memory_space<vmem>>) dst(%dma_wait3A_63 : memref<10240xf32, #tpu.memory_space<vmem_shared>>)
      tpu.yield
    }) : () -> ()
    %barrier3A = arith.constant 0 : index
    tpu.barrier barrier_id(%barrier3A)
    %mul3A_27 = arith.constant 640 : i32
    %mul3A_28 = arith.muli %arg1, %mul3A_27 : i32
    %dma_start3A_29 = arith.constant 0 : i32
    %dma_start3A_30 = tpu.memref_slice %arg8[%dma_start3A_29, %mul3A_28] : memref<16x10240xf32, #tpu.memory_space<vmem_shared>> -> memref<16x640xf32, #tpu.memory_space<vmem_shared>>
    %dma_start3A_31 = arith.constant 0 : i32
    %dma_start3A_32 = tpu.memref_slice %arg8[%dma_start3A_31, %mul3A_28] : memref<16x10240xf32, #tpu.memory_space<vmem_shared>> -> memref<16x640xf32, #tpu.memory_space<vmem_shared>>
    tpu.enqueue_dma source(%dma_start3A_32 : memref<16x640xf32, #tpu.memory_space<vmem_shared>>) target(%arg6 : memref<16x640xf32, #tpu.memory_space<vmem>>) target_semaphore(%arg9 : memref<!tpu.dma_semaphore, #tpu.memory_space<semaphore_mem>>)
    %dma_wait3A_33 = arith.constant 0 : i32
    %dma_wait3A_34 = tpu.memref_slice %arg8[%dma_wait3A_33, %mul3A_28] : memref<16x10240xf32, #tpu.memory_space<vmem_shared>> -> memref<16x640xf32, #tpu.memory_space<vmem_shared>>
    %dma_wait3A_35 = arith.constant 0 : i32
    %dma_wait3A_36 = tpu.memref_slice %arg8[%dma_wait3A_35, %mul3A_28] : memref<16x10240xf32, #tpu.memory_space<vmem_shared>> -> memref<16x640xf32, #tpu.memory_space<vmem_shared>>
    tpu.wait_dma2 semaphore(%arg9 : memref<!tpu.dma_semaphore, #tpu.memory_space<semaphore_mem>>) src(%dma_wait3A_36 : memref<16x640xf32, #tpu.memory_space<vmem_shared>>) dst(%arg6 : memref<16x640xf32, #tpu.memory_space<vmem>>)
    %scan3A_37 = arith.constant 0 : i32
    %scan3A_38 = arith.constant 40 : i32
    %scan3A_39 = arith.addi %scan3A_37, %scan3A_38 : i32
    %scan3A_40 = arith.constant 1 : i32
    scf.for %scan3A_52 = %scan3A_37 to %scan3A_39 step %scan3A_40  : i32 {
      %mul3A_53 = arith.constant 16 : i32
      %mul3A_54 = arith.muli %scan3A_52, %mul3A_53 : i32
      %add3A_55 = arith.constant 0 : i32
      %add3A_56 = arith.addi %add3A_55, %mul3A_54 : i32
      %get3A = arith.constant 0 : i32
      %get3A_57 = arith.index_cast %get3A : i32 to index
      %get3A_58 = arith.index_cast %add3A_56 : i32 to index
      %get3A_59 = tpu.vector_load %arg6[%get3A_57, %get3A_58] {strides = array<i32>} : memref<16x640xf32, #tpu.memory_space<vmem>>, vector<16xf32>,
      %get3A_60 = arith.constant 1 : i32
      %get3A_61 = arith.index_cast %get3A_60 : i32 to index
      %get3A_62 = arith.index_cast %add3A_56 : i32 to index
      %get3A_63 = tpu.vector_load %arg6[%get3A_61, %get3A_62] {strides = array<i32>} : memref<16x640xf32, #tpu.memory_space<vmem>>, vector<16xf32>,
      %add3A_64 = arith.addf %get3A_59, %get3A_63 : vector<16xf32>
      %get3A_65 = arith.constant 2 : i32
      %get3A_66 = arith.index_cast %get3A_65 : i32 to index
      %get3A_67 = arith.index_cast %add3A_56 : i32 to index
      %get3A_68 = tpu.vector_load %arg6[%get3A_66, %get3A_67] {strides = array<i32>} : memref<16x640xf32, #tpu.memory_space<vmem>>, vector<16xf32>,
      %add3A_69 = arith.addf %add3A_64, %get3A_68 : vector<16xf32>
      %get3A_70 = arith.constant 3 : i32
      %get3A_71 = arith.index_cast %get3A_70 : i32 to index
      %get3A_72 = arith.index_cast %add3A_56 : i32 to index
      %get3A_73 = tpu.vector_load %arg6[%get3A_71, %get3A_72] {strides = array<i32>} : memref<16x640xf32, #tpu.memory_space<vmem>>, vector<16xf32>,
      %add3A_74 = arith.addf %add3A_69, %get3A_73 : vector<16xf32>
      %get3A_75 = arith.constant 4 : i32
      %get3A_76 = arith.index_cast %get3A_75 : i32 to index
      %get3A_77 = arith.index_cast %add3A_56 : i32 to index
      %get3A_78 = tpu.vector_load %arg6[%get3A_76, %get3A_77] {strides = array<i32>} : memref<16x640xf32, #tpu.memory_space<vmem>>, vector<16xf32>,
      %add3A_79 = arith.addf %add3A_74, %get3A_78 : vector<16xf32>
      %get3A_80 = arith.constant 5 : i32
      %get3A_81 = arith.index_cast %get3A_80 : i32 to index
      %get3A_82 = arith.index_cast %add3A_56 : i32 to index
      %get3A_83 = tpu.vector_load %arg6[%get3A_81, %get3A_82] {strides = array<i32>} : memref<16x640xf32, #tpu.memory_space<vmem>>, vector<16xf32>,
      %add3A_84 = arith.addf %add3A_79, %get3A_83 : vector<16xf32>
      %get3A_85 = arith.constant 6 : i32
      %get3A_86 = arith.index_cast %get3A_85 : i32 to index
      %get3A_87 = arith.index_cast %add3A_56 : i32 to index
      %get3A_88 = tpu.vector_load %arg6[%get3A_86, %get3A_87] {strides = array<i32>} : memref<16x640xf32, #tpu.memory_space<vmem>>, vector<16xf32>,
      %add3A_89 = arith.addf %add3A_84, %get3A_88 : vector<16xf32>
      %get3A_90 = arith.constant 7 : i32
      %get3A_91 = arith.index_cast %get3A_90 : i32 to index
      %get3A_92 = arith.index_cast %add3A_56 : i32 to index
      %get3A_93 = tpu.vector_load %arg6[%get3A_91, %get3A_92] {strides = array<i32>} : memref<16x640xf32, #tpu.memory_space<vmem>>, vector<16xf32>,
      %add3A_94 = arith.addf %add3A_89, %get3A_93 : vector<16xf32>
      %get3A_95 = arith.constant 8 : i32
      %get3A_96 = arith.index_cast %get3A_95 : i32 to index
      %get3A_97 = arith.index_cast %add3A_56 : i32 to index
      %get3A_98 = tpu.vector_load %arg6[%get3A_96, %get3A_97] {strides = array<i32>} : memref<16x640xf32, #tpu.memory_space<vmem>>, vector<16xf32>,
      %add3A_99 = arith.addf %add3A_94, %get3A_98 : vector<16xf32>
      %get3A_100 = arith.constant 9 : i32
      %get3A_101 = arith.index_cast %get3A_100 : i32 to index
      %get3A_102 = arith.index_cast %add3A_56 : i32 to index
      %get3A_103 = tpu.vector_load %arg6[%get3A_101, %get3A_102] {strides = array<i32>} : memref<16x640xf32, #tpu.memory_space<vmem>>, vector<16xf32>,
      %add3A_104 = arith.addf %add3A_99, %get3A_103 : vector<16xf32>
      %get3A_105 = arith.constant 10 : i32
      %get3A_106 = arith.index_cast %get3A_105 : i32 to index
      %get3A_107 = arith.index_cast %add3A_56 : i32 to index
      %get3A_108 = tpu.vector_load %arg6[%get3A_106, %get3A_107] {strides = array<i32>} : memref<16x640xf32, #tpu.memory_space<vmem>>, vector<16xf32>,
      %add3A_109 = arith.addf %add3A_104, %get3A_108 : vector<16xf32>
      %get3A_110 = arith.constant 11 : i32
      %get3A_111 = arith.index_cast %get3A_110 : i32 to index
      %get3A_112 = arith.index_cast %add3A_56 : i32 to index
      %get3A_113 = tpu.vector_load %arg6[%get3A_111, %get3A_112] {strides = array<i32>} : memref<16x640xf32, #tpu.memory_space<vmem>>, vector<16xf32>,
      %add3A_114 = arith.addf %add3A_109, %get3A_113 : vector<16xf32>
      %get3A_115 = arith.constant 12 : i32
      %get3A_116 = arith.index_cast %get3A_115 : i32 to index
      %get3A_117 = arith.index_cast %add3A_56 : i32 to index
      %get3A_118 = tpu.vector_load %arg6[%get3A_116, %get3A_117] {strides = array<i32>} : memref<16x640xf32, #tpu.memory_space<vmem>>, vector<16xf32>,
      %add3A_119 = arith.addf %add3A_114, %get3A_118 : vector<16xf32>
      %get3A_120 = arith.constant 13 : i32
      %get3A_121 = arith.index_cast %get3A_120 : i32 to index
      %get3A_122 = arith.index_cast %add3A_56 : i32 to index
      %get3A_123 = tpu.vector_load %arg6[%get3A_121, %get3A_122] {strides = array<i32>} : memref<16x640xf32, #tpu.memory_space<vmem>>, vector<16xf32>,
      %add3A_124 = arith.addf %add3A_119, %get3A_123 : vector<16xf32>
      %get3A_125 = arith.constant 14 : i32
      %get3A_126 = arith.index_cast %get3A_125 : i32 to index
      %get3A_127 = arith.index_cast %add3A_56 : i32 to index
      %get3A_128 = tpu.vector_load %arg6[%get3A_126, %get3A_127] {strides = array<i32>} : memref<16x640xf32, #tpu.memory_space<vmem>>, vector<16xf32>,
      %add3A_129 = arith.addf %add3A_124, %get3A_128 : vector<16xf32>
      %get3A_130 = arith.constant 15 : i32
      %get3A_131 = arith.index_cast %get3A_130 : i32 to index
      %get3A_132 = arith.index_cast %add3A_56 : i32 to index
      %get3A_133 = tpu.vector_load %arg6[%get3A_131, %get3A_132] {strides = array<i32>} : memref<16x640xf32, #tpu.memory_space<vmem>>, vector<16xf32>,
      %add3A_134 = arith.addf %add3A_129, %get3A_133 : vector<16xf32>
      %swap3A = arith.index_cast %add3A_56 : i32 to index
      %swap3A_135 = tpu.vector_load %arg7[%swap3A] {strides = array<i32>} : memref<640xf32, #tpu.memory_space<vmem>>, vector<16xf32>,
      tpu.vector_store %arg7[%swap3A], %add3A_134 {strides = array<i32>} : memref<640xf32, #tpu.memory_space<vmem>>, vector<16xf32>,
    }
    %scan3A_41 = arith.constant 40 : i32
    %mul3A_42 = arith.constant 640 : i32
    %mul3A_43 = arith.muli %arg1, %mul3A_42 : i32
    %dma_start3A_44 = tpu.memref_slice %arg3[%arg0, %mul3A_43] : memref<2x10240xf32, #tpu.memory_space<hbm>> -> memref<1x640xf32, #tpu.memory_space<hbm>>
    %dma_start3A_45 = tpu.memref_squeeze %dma_start3A_44 : memref<1x640xf32, #tpu.memory_space<hbm>> -> memref<640xf32, #tpu.memory_space<hbm>>
    %dma_start3A_46 = tpu.memref_slice %arg3[%arg0, %mul3A_43] : memref<2x10240xf32, #tpu.memory_space<hbm>> -> memref<1x640xf32, #tpu.memory_space<hbm>>
    %dma_start3A_47 = tpu.memref_squeeze %dma_start3A_46 : memref<1x640xf32, #tpu.memory_space<hbm>> -> memref<640xf32, #tpu.memory_space<hbm>>
    tpu.enqueue_dma source(%arg7 : memref<640xf32, #tpu.memory_space<vmem>>) target(%dma_start3A_47 : memref<640xf32, #tpu.memory_space<hbm>>) target_semaphore(%arg9 : memref<!tpu.dma_semaphore, #tpu.memory_space<semaphore_mem>>)
    %dma_wait3A_48 = tpu.memref_slice %arg3[%arg0, %mul3A_43] : memref<2x10240xf32, #tpu.memory_space<hbm>> -> memref<1x640xf32, #tpu.memory_space<hbm>>
    %dma_wait3A_49 = tpu.memref_squeeze %dma_wait3A_48 : memref<1x640xf32, #tpu.memory_space<hbm>> -> memref<640xf32, #tpu.memory_space<hbm>>
    %dma_wait3A_50 = tpu.memref_slice %arg3[%arg0, %mul3A_43] : memref<2x10240xf32, #tpu.memory_space<hbm>> -> memref<1x640xf32, #tpu.memory_space<hbm>>
    %dma_wait3A_51 = tpu.memref_squeeze %dma_wait3A_50 : memref<1x640xf32, #tpu.memory_space<hbm>> -> memref<640xf32, #tpu.memory_space<hbm>>
    tpu.wait_dma2 semaphore(%arg9 : memref<!tpu.dma_semaphore, #tpu.memory_space<semaphore_mem>>) src(%arg7 : memref<640xf32, #tpu.memory_space<vmem>>) dst(%dma_wait3A_51 : memref<640xf32, #tpu.memory_space<hbm>>)
    return
  }
}

#map = affine_map<(d0, d1) -> (0, 0)>
#map1 = affine_map<(d0, d1) -> (0, 0, 0)>
module attributes {stable_mosaic.version = 14 : i64} {
  func.func @_agg_body(%arg0: i32, %arg1: i32, %arg2: memref<10000x128xf32, #tpu.memory_space<hbm>>, %arg3: memref<2x2560x128xi32, #tpu.memory_space<hbm>>, %arg4: memref<640x128xf32, #tpu.memory_space<hbm>>, %arg5: memref<2x10240x128xf32, #tpu.memory_space<hbm>>, %arg6: memref<40x128xi32, #tpu.memory_space<vmem>>, %arg7: memref<40x128xi32, #tpu.memory_space<vmem>>, %arg8: memref<128x128xf32, #tpu.memory_space<vmem>>, %arg9: memref<128x128xf32, #tpu.memory_space<vmem>>, %arg10: memref<10240x128xf32, #tpu.memory_space<vmem_shared>>, %arg11: memref<!tpu.dma_semaphore, #tpu.memory_space<semaphore_mem>>, %arg12: memref<!tpu.dma_semaphore, #tpu.memory_space<semaphore_mem>>, %arg13: memref<!tpu.dma_semaphore, #tpu.memory_space<semaphore_mem>>) attributes {dimension_semantics = [#tpu.dimension_semantics<core_parallel>, #tpu.dimension_semantics<subcore_parallel>], iteration_bounds = array<i64: 2, 16>, scalar_prefetch = 0 : i64, scratch_operands = 8 : i64, tpu.core_type = #tpu.core_type<sc_vector_subcore>, window_params = [{transform_indices = #map}, {transform_indices = #map1}, {transform_indices = #map}, {transform_indices = #map1}]} {
    %mul3A = arith.constant 16 : i32
    %mul3A_0 = arith.muli %arg0, %mul3A : i32
    %add3A = arith.addi %mul3A_0, %arg1 : i32
    %mul3A_1 = arith.constant 80 : i32
    %mul3A_2 = arith.muli %add3A, %mul3A_1 : i32
    %mul3A_3 = arith.constant 640 : i32
    %mul3A_4 = arith.muli %arg1, %mul3A_3 : i32
    %dma_start3A = arith.constant 0 : i32
    %dma_start3A_5 = tpu.memref_slice %arg10[%mul3A_4, %dma_start3A] : memref<10240x128xf32, #tpu.memory_space<vmem_shared>> -> memref<640x128xf32, #tpu.memory_space<vmem_shared>>
    tpu.enqueue_dma source(%arg4 : memref<640x128xf32, #tpu.memory_space<hbm>>) target(%dma_start3A_5 : memref<640x128xf32, #tpu.memory_space<vmem_shared>>) target_semaphore(%arg11 : memref<!tpu.dma_semaphore, #tpu.memory_space<semaphore_mem>>)
    %dma_wait3A = arith.constant 0 : i32
    %dma_wait3A_6 = tpu.memref_slice %arg10[%mul3A_4, %dma_wait3A] : memref<10240x128xf32, #tpu.memory_space<vmem_shared>> -> memref<640x128xf32, #tpu.memory_space<vmem_shared>>
    tpu.wait_dma2 semaphore(%arg11 : memref<!tpu.dma_semaphore, #tpu.memory_space<semaphore_mem>>) src(%arg4 : memref<640x128xf32, #tpu.memory_space<hbm>>) dst(%dma_wait3A_6 : memref<640x128xf32, #tpu.memory_space<vmem_shared>>)
    %barrier3A = arith.constant 0 : index
    tpu.barrier barrier_id(%barrier3A)
    %scan3A = arith.constant 0 : i32
    %scan3A_7 = arith.constant 2 : i32
    %scan3A_8 = arith.addi %scan3A, %scan3A_7 : i32
    %scan3A_9 = arith.constant 1 : i32
    scf.for %scan3A_26 = %scan3A to %scan3A_8 step %scan3A_9  : i32 {
      %mul3A_27 = arith.constant 40 : i32
      %mul3A_28 = arith.muli %scan3A_26, %mul3A_27 : i32
      %add3A_29 = arith.constant 0 : i32
      %add3A_30 = arith.addi %add3A_29, %mul3A_28 : i32
      %add3A_31 = arith.addi %mul3A_2, %add3A_30 : i32
      %dma_start3A_32 = arith.constant 0 : i32
      %dma_start3A_33 = arith.constant 0 : i32
      %dma_start3A_34 = tpu.memref_slice %arg3[%dma_start3A_32, %add3A_31, %dma_start3A_33] : memref<2x2560x128xi32, #tpu.memory_space<hbm>> -> memref<1x40x128xi32, #tpu.memory_space<hbm>>
      %dma_start3A_35 = tpu.memref_squeeze %dma_start3A_34 : memref<1x40x128xi32, #tpu.memory_space<hbm>> -> memref<40x128xi32, #tpu.memory_space<hbm>>
      %dma_start3A_36 = arith.constant 0 : i32
      %dma_start3A_37 = tpu.memref_slice %arg3[%dma_start3A_32, %add3A_31, %dma_start3A_36] : memref<2x2560x128xi32, #tpu.memory_space<hbm>> -> memref<1x40x128xi32, #tpu.memory_space<hbm>>
      %dma_start3A_38 = tpu.memref_squeeze %dma_start3A_37 : memref<1x40x128xi32, #tpu.memory_space<hbm>> -> memref<40x128xi32, #tpu.memory_space<hbm>>
      tpu.enqueue_dma source(%dma_start3A_38 : memref<40x128xi32, #tpu.memory_space<hbm>>) target(%arg6 : memref<40x128xi32, #tpu.memory_space<vmem>>) target_semaphore(%arg11 : memref<!tpu.dma_semaphore, #tpu.memory_space<semaphore_mem>>)
      %add3A_39 = arith.addi %mul3A_2, %add3A_30 : i32
      %dma_start3A_40 = arith.constant 1 : i32
      %dma_start3A_41 = arith.constant 0 : i32
      %dma_start3A_42 = tpu.memref_slice %arg3[%dma_start3A_40, %add3A_39, %dma_start3A_41] : memref<2x2560x128xi32, #tpu.memory_space<hbm>> -> memref<1x40x128xi32, #tpu.memory_space<hbm>>
      %dma_start3A_43 = tpu.memref_squeeze %dma_start3A_42 : memref<1x40x128xi32, #tpu.memory_space<hbm>> -> memref<40x128xi32, #tpu.memory_space<hbm>>
      %dma_start3A_44 = arith.constant 0 : i32
      %dma_start3A_45 = tpu.memref_slice %arg3[%dma_start3A_40, %add3A_39, %dma_start3A_44] : memref<2x2560x128xi32, #tpu.memory_space<hbm>> -> memref<1x40x128xi32, #tpu.memory_space<hbm>>
      %dma_start3A_46 = tpu.memref_squeeze %dma_start3A_45 : memref<1x40x128xi32, #tpu.memory_space<hbm>> -> memref<40x128xi32, #tpu.memory_space<hbm>>
      tpu.enqueue_dma source(%dma_start3A_46 : memref<40x128xi32, #tpu.memory_space<hbm>>) target(%arg7 : memref<40x128xi32, #tpu.memory_space<vmem>>) target_semaphore(%arg11 : memref<!tpu.dma_semaphore, #tpu.memory_space<semaphore_mem>>)
      %add3A_47 = arith.addi %mul3A_2, %add3A_30 : i32
      %dma_wait3A_48 = arith.constant 0 : i32
      %dma_wait3A_49 = arith.constant 0 : i32
      %dma_wait3A_50 = tpu.memref_slice %arg3[%dma_wait3A_48, %add3A_47, %dma_wait3A_49] : memref<2x2560x128xi32, #tpu.memory_space<hbm>> -> memref<1x40x128xi32, #tpu.memory_space<hbm>>
      %dma_wait3A_51 = tpu.memref_squeeze %dma_wait3A_50 : memref<1x40x128xi32, #tpu.memory_space<hbm>> -> memref<40x128xi32, #tpu.memory_space<hbm>>
      %dma_wait3A_52 = arith.constant 0 : i32
      %dma_wait3A_53 = tpu.memref_slice %arg3[%dma_wait3A_48, %add3A_47, %dma_wait3A_52] : memref<2x2560x128xi32, #tpu.memory_space<hbm>> -> memref<1x40x128xi32, #tpu.memory_space<hbm>>
      %dma_wait3A_54 = tpu.memref_squeeze %dma_wait3A_53 : memref<1x40x128xi32, #tpu.memory_space<hbm>> -> memref<40x128xi32, #tpu.memory_space<hbm>>
      tpu.wait_dma2 semaphore(%arg11 : memref<!tpu.dma_semaphore, #tpu.memory_space<semaphore_mem>>) src(%dma_wait3A_54 : memref<40x128xi32, #tpu.memory_space<hbm>>) dst(%arg6 : memref<40x128xi32, #tpu.memory_space<vmem>>)
      %add3A_55 = arith.addi %mul3A_2, %add3A_30 : i32
      %dma_wait3A_56 = arith.constant 1 : i32
      %dma_wait3A_57 = arith.constant 0 : i32
      %dma_wait3A_58 = tpu.memref_slice %arg3[%dma_wait3A_56, %add3A_55, %dma_wait3A_57] : memref<2x2560x128xi32, #tpu.memory_space<hbm>> -> memref<1x40x128xi32, #tpu.memory_space<hbm>>
      %dma_wait3A_59 = tpu.memref_squeeze %dma_wait3A_58 : memref<1x40x128xi32, #tpu.memory_space<hbm>> -> memref<40x128xi32, #tpu.memory_space<hbm>>
      %dma_wait3A_60 = arith.constant 0 : i32
      %dma_wait3A_61 = tpu.memref_slice %arg3[%dma_wait3A_56, %add3A_55, %dma_wait3A_60] : memref<2x2560x128xi32, #tpu.memory_space<hbm>> -> memref<1x40x128xi32, #tpu.memory_space<hbm>>
      %dma_wait3A_62 = tpu.memref_squeeze %dma_wait3A_61 : memref<1x40x128xi32, #tpu.memory_space<hbm>> -> memref<40x128xi32, #tpu.memory_space<hbm>>
      tpu.wait_dma2 semaphore(%arg11 : memref<!tpu.dma_semaphore, #tpu.memory_space<semaphore_mem>>) src(%dma_wait3A_62 : memref<40x128xi32, #tpu.memory_space<hbm>>) dst(%arg7 : memref<40x128xi32, #tpu.memory_space<vmem>>)
      %dma_start3A_63 = arith.constant 0 : i32
      %dma_start3A_64 = arith.constant 0 : i32
      %dma_start3A_65 = tpu.memref_slice %arg6[%dma_start3A_63, %dma_start3A_64] : memref<40x128xi32, #tpu.memory_space<vmem>> -> memref<1x128xi32, #tpu.memory_space<vmem>>
      %dma_start3A_66 = tpu.memref_squeeze %dma_start3A_65 : memref<1x128xi32, #tpu.memory_space<vmem>> -> memref<128xi32, #tpu.memory_space<vmem>>
      %dma_start3A_67 = arith.constant 0 : i32
      %dma_start3A_68 = arith.constant 0 : i32
      %dma_start3A_69 = tpu.memref_slice %arg2[%dma_start3A_67, %dma_start3A_68] : memref<10000x128xf32, #tpu.memory_space<hbm>> -> memref<10000x128xf32, #tpu.memory_space<hbm>>
      tpu.enqueue_indirect_dma source(%dma_start3A_69 : memref<10000x128xf32, #tpu.memory_space<hbm>>) target(%arg8 : memref<128x128xf32, #tpu.memory_space<vmem>>) offsets(%dma_start3A_66 : memref<128xi32, #tpu.memory_space<vmem>>) semaphore(%arg12 : memref<!tpu.dma_semaphore, #tpu.memory_space<semaphore_mem>>)
      %scan3A_70 = arith.constant 0 : i32
      %scan3A_71 = arith.constant 20 : i32
      %scan3A_72 = arith.addi %scan3A_70, %scan3A_71 : i32
      %scan3A_73 = arith.constant 1 : i32
      scf.for %scan3A_75 = %scan3A_70 to %scan3A_72 step %scan3A_73  : i32 {
        %mul3A_76 = arith.constant 2 : i32
        %mul3A_77 = arith.muli %scan3A_75, %mul3A_76 : i32
        %add3A_78 = arith.constant 0 : i32
        %add3A_79 = arith.addi %add3A_78, %mul3A_77 : i32
        %add3A_80 = arith.constant 1 : i32
        %add3A_81 = arith.addi %add3A_79, %add3A_80 : i32
        %dma_start3A_82 = arith.constant 0 : i32
        %dma_start3A_83 = tpu.memref_slice %arg6[%add3A_81, %dma_start3A_82] : memref<40x128xi32, #tpu.memory_space<vmem>> -> memref<1x128xi32, #tpu.memory_space<vmem>>
        %dma_start3A_84 = tpu.memref_squeeze %dma_start3A_83 : memref<1x128xi32, #tpu.memory_space<vmem>> -> memref<128xi32, #tpu.memory_space<vmem>>
        %dma_start3A_85 = arith.constant 0 : i32
        %dma_start3A_86 = arith.constant 0 : i32
        %dma_start3A_87 = tpu.memref_slice %arg2[%dma_start3A_85, %dma_start3A_86] : memref<10000x128xf32, #tpu.memory_space<hbm>> -> memref<10000x128xf32, #tpu.memory_space<hbm>>
        tpu.enqueue_indirect_dma source(%dma_start3A_87 : memref<10000x128xf32, #tpu.memory_space<hbm>>) target(%arg9 : memref<128x128xf32, #tpu.memory_space<vmem>>) offsets(%dma_start3A_84 : memref<128xi32, #tpu.memory_space<vmem>>) semaphore(%arg13 : memref<!tpu.dma_semaphore, #tpu.memory_space<semaphore_mem>>)
        %dma_wait3A_88 = arith.constant 0 : i32
        %dma_wait3A_89 = tpu.memref_slice %arg6[%add3A_79, %dma_wait3A_88] : memref<40x128xi32, #tpu.memory_space<vmem>> -> memref<1x128xi32, #tpu.memory_space<vmem>>
        %dma_wait3A_90 = tpu.memref_squeeze %dma_wait3A_89 : memref<1x128xi32, #tpu.memory_space<vmem>> -> memref<128xi32, #tpu.memory_space<vmem>>
        %dma_wait3A_91 = arith.constant 0 : i32
        %dma_wait3A_92 = arith.constant 0 : i32
        %dma_wait3A_93 = tpu.memref_slice %arg2[%dma_wait3A_91, %dma_wait3A_92] : memref<10000x128xf32, #tpu.memory_space<hbm>> -> memref<10000x128xf32, #tpu.memory_space<hbm>>
        tpu.wait_indirect_dma semaphore(%arg12 : memref<!tpu.dma_semaphore, #tpu.memory_space<semaphore_mem>>) src(%dma_wait3A_93 : memref<10000x128xf32, #tpu.memory_space<hbm>>) dst(%arg8 : memref<128x128xf32, #tpu.memory_space<vmem>>)
        %add3A_94 = arith.constant 2 : i32
        %add3A_95 = arith.addi %add3A_79, %add3A_94 : i32
        %lt3A = arith.constant 40 : i32
        %lt3A_96 = arith.cmpi slt, %add3A_95, %lt3A : i32
        %convert_element_type3A = arith.extui %lt3A_96 : i1 to i32
        %cond3A = arith.constant 0 : i32
        %cond3A_97 = arith.cmpi ne, %convert_element_type3A, %cond3A : i32
        scf.if %cond3A_97 {
          %add3A_106 = arith.constant 2 : i32
          %add3A_107 = arith.addi %add3A_79, %add3A_106 : i32
          %dma_start3A_108 = arith.constant 0 : i32
          %dma_start3A_109 = tpu.memref_slice %arg6[%add3A_107, %dma_start3A_108] : memref<40x128xi32, #tpu.memory_space<vmem>> -> memref<1x128xi32, #tpu.memory_space<vmem>>
          %dma_start3A_110 = tpu.memref_squeeze %dma_start3A_109 : memref<1x128xi32, #tpu.memory_space<vmem>> -> memref<128xi32, #tpu.memory_space<vmem>>
          %dma_start3A_111 = arith.constant 0 : i32
          %dma_start3A_112 = arith.constant 0 : i32
          %dma_start3A_113 = tpu.memref_slice %arg2[%dma_start3A_111, %dma_start3A_112] : memref<10000x128xf32, #tpu.memory_space<hbm>> -> memref<10000x128xf32, #tpu.memory_space<hbm>>
          tpu.enqueue_indirect_dma source(%dma_start3A_113 : memref<10000x128xf32, #tpu.memory_space<hbm>>) target(%arg8 : memref<128x128xf32, #tpu.memory_space<vmem>>) offsets(%dma_start3A_110 : memref<128xi32, #tpu.memory_space<vmem>>) semaphore(%arg12 : memref<!tpu.dma_semaphore, #tpu.memory_space<semaphore_mem>>)
        } else {
        }
        %add3A_98 = arith.constant 1 : i32
        %add3A_99 = arith.addi %add3A_79, %add3A_98 : i32
        %dma_wait3A_100 = arith.constant 0 : i32
        %dma_wait3A_101 = tpu.memref_slice %arg6[%add3A_99, %dma_wait3A_100] : memref<40x128xi32, #tpu.memory_space<vmem>> -> memref<1x128xi32, #tpu.memory_space<vmem>>
        %dma_wait3A_102 = tpu.memref_squeeze %dma_wait3A_101 : memref<1x128xi32, #tpu.memory_space<vmem>> -> memref<128xi32, #tpu.memory_space<vmem>>
        %dma_wait3A_103 = arith.constant 0 : i32
        %dma_wait3A_104 = arith.constant 0 : i32
        %dma_wait3A_105 = tpu.memref_slice %arg2[%dma_wait3A_103, %dma_wait3A_104] : memref<10000x128xf32, #tpu.memory_space<hbm>> -> memref<10000x128xf32, #tpu.memory_space<hbm>>
        tpu.wait_indirect_dma semaphore(%arg13 : memref<!tpu.dma_semaphore, #tpu.memory_space<semaphore_mem>>) src(%dma_wait3A_105 : memref<10000x128xf32, #tpu.memory_space<hbm>>) dst(%arg9 : memref<128x128xf32, #tpu.memory_space<vmem>>)
      }
      %scan3A_74 = arith.constant 20 : i32
    }
    %scan3A_10 = arith.constant 2 : i32
    %barrier3A_11 = arith.constant 0 : index
    tpu.barrier barrier_id(%barrier3A_11)
    %mul3A_12 = arith.constant 640 : i32
    %mul3A_13 = arith.muli %arg1, %mul3A_12 : i32
    %mul3A_14 = arith.constant 640 : i32
    %mul3A_15 = arith.muli %arg1, %mul3A_14 : i32
    %dma_start3A_16 = arith.constant 0 : i32
    %dma_start3A_17 = tpu.memref_slice %arg5[%arg0, %mul3A_15, %dma_start3A_16] : memref<2x10240x128xf32, #tpu.memory_space<hbm>> -> memref<1x640x128xf32, #tpu.memory_space<hbm>>
    %dma_start3A_18 = tpu.memref_squeeze %dma_start3A_17 : memref<1x640x128xf32, #tpu.memory_space<hbm>> -> memref<640x128xf32, #tpu.memory_space<hbm>>
    %dma_start3A_19 = arith.constant 0 : i32
    %dma_start3A_20 = tpu.memref_slice %arg10[%mul3A_13, %dma_start3A_19] : memref<10240x128xf32, #tpu.memory_space<vmem_shared>> -> memref<640x128xf32, #tpu.memory_space<vmem_shared>>
    tpu.enqueue_dma source(%dma_start3A_20 : memref<640x128xf32, #tpu.memory_space<vmem_shared>>) target(%dma_start3A_18 : memref<640x128xf32, #tpu.memory_space<hbm>>) target_semaphore(%arg11 : memref<!tpu.dma_semaphore, #tpu.memory_space<semaphore_mem>>)
    %dma_wait3A_21 = arith.constant 0 : i32
    %dma_wait3A_22 = tpu.memref_slice %arg5[%arg0, %mul3A_15, %dma_wait3A_21] : memref<2x10240x128xf32, #tpu.memory_space<hbm>> -> memref<1x640x128xf32, #tpu.memory_space<hbm>>
    %dma_wait3A_23 = tpu.memref_squeeze %dma_wait3A_22 : memref<1x640x128xf32, #tpu.memory_space<hbm>> -> memref<640x128xf32, #tpu.memory_space<hbm>>
    %dma_wait3A_24 = arith.constant 0 : i32
    %dma_wait3A_25 = tpu.memref_slice %arg10[%mul3A_13, %dma_wait3A_24] : memref<10240x128xf32, #tpu.memory_space<vmem_shared>> -> memref<640x128xf32, #tpu.memory_space<vmem_shared>>
    tpu.wait_dma2 semaphore(%arg11 : memref<!tpu.dma_semaphore, #tpu.memory_space<semaphore_mem>>) src(%dma_wait3A_25 : memref<640x128xf32, #tpu.memory_space<vmem_shared>>) dst(%dma_wait3A_23 : memref<640x128xf32, #tpu.memory_space<hbm>>)
    return
  }
}

module attributes {stable_mosaic.version = 14 : i64} {
  func.func @_h2_kernel(%arg0: i32, %arg1: memref<1000x128xf32, #tpu.memory_space<vmem>>, %arg2: memref<128x128xf32, #tpu.memory_space<vmem>>, %arg3: memref<1000x1xf32, #tpu.memory_space<vmem>>, %arg4: memref<1000x1xf32, #tpu.memory_space<vmem>>, %arg5: memref<1000x128xf32, #tpu.memory_space<vmem>>) attributes {dimension_semantics = [#tpu.dimension_semantics<arbitrary>], iteration_bounds = array<i64: 10>, scalar_prefetch = 0 : i64, scratch_operands = 0 : i64, tpu.core_type = #tpu.core_type<tc>, window_params = [{transform_indices = @transform_0, window_bounds = array<i64: 1000, 128>}, {pipeline_mode = #tpu.pipeline_mode<synchronous>, transform_indices = @transform_1, window_bounds = array<i64: 128, 128>}, {transform_indices = @transform_2, window_bounds = array<i64: 1000, 1>}, {transform_indices = @transform_3, window_bounds = array<i64: 1000, 1>}, {transform_indices = @transform_4, window_bounds = array<i64: 1000, 128>}]} {
    %get3A = arith.constant 0 : index
    %get3A_0 = arith.constant 0 : index
    %get3A_1 = vector.load %arg3[%get3A, %get3A_0] : memref<1000x1xf32, #tpu.memory_space<vmem>>, vector<1000x1xf32>
    %get3A_2 = vector.shape_cast %get3A_1 : vector<1000x1xf32> to vector<1000xf32>
    %add3A = arith.constant 1.000000e+00 : f32
    %add3A_3 = vector.broadcast %add3A : f32 to vector<1000xf32>
    %add3A_4 = arith.addf %add3A_3, %get3A_2 : vector<1000xf32>
    %get3A_5 = arith.constant 0 : index
    %get3A_6 = arith.constant 0 : index
    %get3A_7 = vector.load %arg4[%get3A_5, %get3A_6] : memref<1000x1xf32, #tpu.memory_space<vmem>>, vector<1000x1xf32>
    %get3A_8 = vector.shape_cast %get3A_7 : vector<1000x1xf32> to vector<1000xf32>
    %add3A_9 = arith.addf %add3A_4, %get3A_8 : vector<1000xf32>
    %rsqrt3A = math.rsqrt %add3A_9 : vector<1000xf32>
    %get3A_10 = arith.constant 0 : index
    %get3A_11 = arith.constant 0 : index
    %get3A_12 = vector.load %arg1[%get3A_10, %get3A_11] : memref<1000x128xf32, #tpu.memory_space<vmem>>, vector<1000x128xf32>
    %get3A_13 = arith.constant 0 : index
    %get3A_14 = arith.constant 0 : index
    %get3A_15 = vector.load %arg2[%get3A_13, %get3A_14] : memref<128x128xf32, #tpu.memory_space<vmem>>, vector<128x128xf32>
    %dot_general3A = arith.constant dense<0.000000e+00> : vector<1000x128xf32>
    %dot_general3A_16 = tpu.matmul %get3A_12, %get3A_15, %dot_general3A {dimension_numbers = #tpu.dot_dimension_numbers<[1], [0], [0], [1], [0, 0, 1, 1], [], []>, transpose_lhs_hint = false} : vector<1000x128xf32>, vector<128x128xf32>, vector<1000x128xf32> -> vector<1000x128xf32>
    %broadcast_in_dim3A = vector.shape_cast %rsqrt3A : vector<1000xf32> to vector<1000x1xf32>
    %mul3A = vector.broadcast %broadcast_in_dim3A : vector<1000x1xf32> to vector<1000x128xf32>
    %mul3A_17 = arith.mulf %dot_general3A_16, %mul3A : vector<1000x128xf32>
    %swap3A = arith.constant 0 : index
    %swap3A_18 = arith.constant 0 : index
    %swap3A_19 = vector.load %arg5[%swap3A, %swap3A_18] : memref<1000x128xf32, #tpu.memory_space<vmem>>, vector<1000x128xf32>
    tpu.vector_store %arg5[%swap3A, %swap3A_18], %mul3A_17 {strides = array<i32>} : memref<1000x128xf32, #tpu.memory_space<vmem>>, vector<1000x128xf32>,
    return
  }
  func.func @transform_0(%arg0: i32) -> (i32, i32) {
    %c0_i32 = arith.constant 0 : i32
    %c0_i32_0 = arith.constant 0 : i32
    return %arg0, %c0_i32 : i32, i32
  }
  func.func @transform_1(%arg0: i32) -> (i32, i32) {
    %c0_i32 = arith.constant 0 : i32
    %c0_i32_0 = arith.constant 0 : i32
    %c0_i32_1 = arith.constant 0 : i32
    return %c0_i32, %c0_i32_0 : i32, i32
  }
  func.func @transform_2(%arg0: i32) -> (i32, i32) {
    %c0_i32 = arith.constant 0 : i32
    %c0_i32_0 = arith.constant 0 : i32
    return %arg0, %c0_i32 : i32, i32
  }
  func.func @transform_3(%arg0: i32) -> (i32, i32) {
    %c0_i32 = arith.constant 0 : i32
    %c0_i32_0 = arith.constant 0 : i32
    return %arg0, %c0_i32 : i32, i32
  }
  func.func @transform_4(%arg0: i32) -> (i32, i32) {
    %c0_i32 = arith.constant 0 : i32
    %c0_i32_0 = arith.constant 0 : i32
    return %arg0, %c0_i32 : i32, i32
  }
}

module attributes {stable_mosaic.version = 14 : i64} {
  func.func @_epilogue_kernel(%arg0: i32, %arg1: memref<2x1000x128xf32, #tpu.memory_space<vmem>>, %arg2: memref<1000x128xf32, #tpu.memory_space<vmem>>, %arg3: memref<1000x1xf32, #tpu.memory_space<vmem>>, %arg4: memref<1000x1xf32, #tpu.memory_space<vmem>>, %arg5: memref<1x128xf32, #tpu.memory_space<vmem>>, %arg6: memref<1x1xf32, #tpu.memory_space<smem>>, %arg7: memref<1000x128xf32, #tpu.memory_space<vmem>>) attributes {dimension_semantics = [#tpu.dimension_semantics<arbitrary>], iteration_bounds = array<i64: 10>, scalar_prefetch = 0 : i64, scratch_operands = 0 : i64, tpu.core_type = #tpu.core_type<tc>, window_params = [{transform_indices = @transform_0, window_bounds = array<i64: 2, 1000, 128>}, {transform_indices = @transform_1, window_bounds = array<i64: 1000, 128>}, {transform_indices = @transform_2, window_bounds = array<i64: 1000, 1>}, {transform_indices = @transform_3, window_bounds = array<i64: 1000, 1>}, {pipeline_mode = #tpu.pipeline_mode<synchronous>, transform_indices = @transform_4, window_bounds = array<i64: 1, 128>}, {transform_indices = @transform_5, window_bounds = array<i64: 1, 1>}, {transform_indices = @transform_6, window_bounds = array<i64: 1000, 128>}]} {
    %get3A = arith.constant 0 : index
    %get3A_0 = arith.constant 0 : index
    %get3A_1 = vector.load %arg3[%get3A, %get3A_0] : memref<1000x1xf32, #tpu.memory_space<vmem>>, vector<1000x1xf32>
    %get3A_2 = vector.shape_cast %get3A_1 : vector<1000x1xf32> to vector<1000xf32>
    %add3A = arith.constant 1.000000e+00 : f32
    %add3A_3 = vector.broadcast %add3A : f32 to vector<1000xf32>
    %add3A_4 = arith.addf %add3A_3, %get3A_2 : vector<1000xf32>
    %get3A_5 = arith.constant 0 : index
    %get3A_6 = arith.constant 0 : index
    %get3A_7 = vector.load %arg4[%get3A_5, %get3A_6] : memref<1000x1xf32, #tpu.memory_space<vmem>>, vector<1000x1xf32>
    %get3A_8 = vector.shape_cast %get3A_7 : vector<1000x1xf32> to vector<1000xf32>
    %add3A_9 = arith.addf %add3A_4, %get3A_8 : vector<1000xf32>
    %rsqrt3A = math.rsqrt %add3A_9 : vector<1000xf32>
    %get3A_10 = arith.constant 0 : index
    %get3A_11 = arith.constant 0 : index
    %get3A_12 = arith.constant 0 : index
    %get3A_13 = vector.load %arg1[%get3A_10, %get3A_11, %get3A_12] : memref<2x1000x128xf32, #tpu.memory_space<vmem>>, vector<1x1000x128xf32>
    %get3A_14 = vector.shape_cast %get3A_13 : vector<1x1000x128xf32> to vector<1000x128xf32>
    %get3A_15 = arith.constant 1 : index
    %get3A_16 = arith.constant 0 : index
    %get3A_17 = arith.constant 0 : index
    %get3A_18 = vector.load %arg1[%get3A_15, %get3A_16, %get3A_17] : memref<2x1000x128xf32, #tpu.memory_space<vmem>>, vector<1x1000x128xf32>
    %get3A_19 = vector.shape_cast %get3A_18 : vector<1x1000x128xf32> to vector<1000x128xf32>
    %add3A_20 = arith.addf %get3A_14, %get3A_19 : vector<1000x128xf32>
    %get3A_21 = arith.constant 0 : index
    %get3A_22 = arith.constant 0 : index
    %get3A_23 = vector.load %arg2[%get3A_21, %get3A_22] : memref<1000x128xf32, #tpu.memory_space<vmem>>, vector<1000x128xf32>
    %add3A_24 = arith.addf %add3A_20, %get3A_23 : vector<1000x128xf32>
    %broadcast_in_dim3A = vector.shape_cast %rsqrt3A : vector<1000xf32> to vector<1000x1xf32>
    %mul3A = vector.broadcast %broadcast_in_dim3A : vector<1000x1xf32> to vector<1000x128xf32>
    %mul3A_25 = arith.mulf %add3A_24, %mul3A : vector<1000x128xf32>
    %get3A_26 = arith.constant 0 : index
    %get3A_27 = arith.constant 0 : index
    %get3A_28 = vector.load %arg5[%get3A_26, %get3A_27] : memref<1x128xf32, #tpu.memory_space<vmem>>, vector<1x128xf32>
    %add3A_29 = vector.broadcast %get3A_28 : vector<1x128xf32> to vector<1000x128xf32>
    %add3A_30 = arith.addf %mul3A_25, %add3A_29 : vector<1000x128xf32>
    %ge3A = arith.constant 0.000000e+00 : f32
    %ge3A_31 = vector.broadcast %ge3A : f32 to vector<1000x128xf32>
    %ge3A_32 = arith.cmpf oge, %add3A_30, %ge3A_31 : vector<1000x128xf32>
    %get3A_33 = arith.constant 0 : index
    %get3A_34 = arith.constant 0 : index
    %get3A_35 = memref.load %arg6[%get3A_33, %get3A_34] : memref<1x1xf32, #tpu.memory_space<smem>>
    %mul3A_36 = vector.broadcast %get3A_35 : f32 to vector<1000x128xf32>
    %mul3A_37 = arith.mulf %mul3A_36, %add3A_30 : vector<1000x128xf32>
    %select_n3A = arith.select %ge3A_32, %add3A_30, %mul3A_37 : vector<1000x128xi1>, vector<1000x128xf32>
    %swap3A = arith.constant 0 : index
    %swap3A_38 = arith.constant 0 : index
    %swap3A_39 = vector.load %arg7[%swap3A, %swap3A_38] : memref<1000x128xf32, #tpu.memory_space<vmem>>, vector<1000x128xf32>
    tpu.vector_store %arg7[%swap3A, %swap3A_38], %select_n3A {strides = array<i32>} : memref<1000x128xf32, #tpu.memory_space<vmem>>, vector<1000x128xf32>,
    return
  }
  func.func @transform_0(%arg0: i32) -> (i32, i32, i32) {
    %c0_i32 = arith.constant 0 : i32
    %c0_i32_0 = arith.constant 0 : i32
    %c0_i32_1 = arith.constant 0 : i32
    return %c0_i32, %arg0, %c0_i32_0 : i32, i32, i32
  }
  func.func @transform_1(%arg0: i32) -> (i32, i32) {
    %c0_i32 = arith.constant 0 : i32
    %c0_i32_0 = arith.constant 0 : i32
    return %arg0, %c0_i32 : i32, i32
  }
  func.func @transform_2(%arg0: i32) -> (i32, i32) {
    %c0_i32 = arith.constant 0 : i32
    %c0_i32_0 = arith.constant 0 : i32
    return %arg0, %c0_i32 : i32, i32
  }
  func.func @transform_3(%arg0: i32) -> (i32, i32) {
    %c0_i32 = arith.constant 0 : i32
    %c0_i32_0 = arith.constant 0 : i32
    return %arg0, %c0_i32 : i32, i32
  }
  func.func @transform_4(%arg0: i32) -> (i32, i32) {
    %c0_i32 = arith.constant 0 : i32
    %c0_i32_0 = arith.constant 0 : i32
    %c0_i32_1 = arith.constant 0 : i32
    return %c0_i32, %c0_i32_0 : i32, i32
  }
  func.func @transform_5(%arg0: i32) -> (i32, i32) {
    %c0_i32 = arith.constant 0 : i32
    %c0_i32_0 = arith.constant 0 : i32
    %c0_i32_1 = arith.constant 0 : i32
    return %c0_i32, %c0_i32_0 : i32, i32
  }
  func.func @transform_6(%arg0: i32) -> (i32, i32) {
    %c0_i32 = arith.constant 0 : i32
    %c0_i32_0 = arith.constant 0 : i32
    return %arg0, %c0_i32 : i32, i32
  }
}

</mosaic_0001>

<sc_bundles>
// kernel: kernel.6.cloned.1.call-start
scs
__scs_entry_jumppad:
0x0: {  	(pc) =	sbr.rel $0x88, $3  }
0x1: {  	(tag) =	ssettag $0x0;
	lr =	simm.s32 $0x1  }
0x2: {  	[smem:$0x3F9C] =	sst lr;
	_ =	strace $0xD0000000  }
0x3: {  	_ = 	snop  }
0x4: {  	_ = 	snop  }
0x5: {  	_ = 	snop  }
0x6: {  	_ = 	snop  }
0x7: {  	_ = 	snop  }
__scs_overlays_trampoline_lowered:
0x8: {  	[smem:$0x3FAB] =	sst s0  }
0x9: {  	[smem:$0x3FAC] =	sst s1  }
0xa: {  	[smem:$0x3FAD] =	sst s2  }
0xb: {  	[smem:$0x3FAE] =	sst s3  }
0xc: {  	[smem:$0x3FAF] =	sst s4  }
0xd: {  	[smem:$0x3FB0] =	sst s5  }
0xe: {  	[smem:$0x3FB1] =	sst s6  }
0xf: {  	[smem:$0x3FB2] =	sst s7  }
0x10: {  	[smem:$0x3FB3] =	sst s8  }
0x11: {  	[smem:$0x3FB4] =	sst s9;
	s0 =	simm.s32 @!p0 $0x0  }
0x12: {  	s1 =	sld [smem:$0x3F9A];
	s0 =	simm.s32 @p0 $0x1  }
0x13: {  	[smem:$0x3FB5] =	sst s0;
	s0 =	simm.s32 @!p1 $0x0  }
0x14: {  	s2 =	sld [smem:$0x3F99];
	s0 =	simm.s32 @p1 $0x1  }
0x15: {  	[smem:$0x3FB6] =	sst s0;
	s0 =	simm.s32 @!p2 $0x0  }
0x16: {  	s3 =	sld [smem:$0x3FDB];
	s0 =	simm.s32 @p2 $0x1  }
0x17: {  	s4 =	simm.s32 $0x1BF5;
	[smem:$0x3FB8] =	sst s0  }
0x18: {  	s0 =	sld [smem:$0x3F9B];
	_ =	swait.ge [sflag:s4], $0x0  }
0x19: {  	s7 =	sld [smem:$0x3F9C]  }
0x1a: {  	s8 =	sadd.s32 $0xFFFFE003, lr  }
0x1b: {  	s9 =	sadd.s32 $0xFFFFFEF7, lr;
	s5 =	simm.s32 $0xFFFFFFFF;
	p2 =	slt.u32 s8, $0xFFFFF086  }
0x1c: {  	p1 =	slt.u32 s9, $0xF7A;
	s5 =	simm.s32 @!p2 $0x0  }
0x1d: {  	s5 =	simm.s32 @p1 $0x1;
	p0 =	seq.s32 s7, s2  }
0x1e: {  	s7 =	smul.u32 @!p0 $0xF7A, s2;
	p2 =	seq.s32 @!p0 s5, $0x0  }
0x1f: {  	s9 =	smul.u32 $0xF7A, s1;
	s8 =	simm.s32 @!p0 $0x1BF5;
	p2 =	por !p2, p0  }
0x20: {  	[sflag:s8] =	ssyncset.s32 @!p0 $0xFFFFF086;
	s6 =	sadd.s32 @!p0 s3, s7;
	s7 =	simm.s32 @!p0 $0x108  }
0x21: {  	s3 =	sadd.s32 s3, s9;
	s6 =	sadd.s32 @!p0 $0x88, s6;
	s7 =	simm.s32 @p2 $0x1082  }
0x22: {  	[simem:s7], [sflag:s8] =	dma.local @!p0 [hbm:s6], $0xF7A  }
0x23: {  	s9 =	sor.u32 $0xD0000000, s2;
	s6 =	simm.s32 $0x108;
	_ =	swait.ge @!p0 [sflag:s8], $0x0  }
0x24: {  	s3 =	sadd.s32 $0x88, s3;
	s6 =	simm.s32 @!p1 $0x1082;
	[sflag:s4] =	ssyncset.s32 $0xFFFFF086  }
0x25: {  	[simem:s6], [sflag:s4] =	dma.local [hbm:s3], $0xF7A  }
0x26: {  	[smem:$0x3F9C] =	sst s1;
	(tag) =	ssettag s2;
	_ =	strace s9  }
0x27: {  	s1 =	sld [smem:$0x3FAC]  }
0x28: {  	s2 =	sld [smem:$0x3FAD]  }
0x29: {  	s4 =	sld [smem:$0x3FAF]  }
0x2a: {  	p0 =	seq.s32 s5, $0x0;
	s5 =	sld [smem:$0x3FB0]  }
0x2b: {  	s6 =	sld [smem:$0x3FB1]  }
0x2c: {  	s7 =	sld [smem:$0x3FB2]  }
0x2d: {  	s3 =	simm.s32 $0x108;
	s8 =	sld [smem:$0x3FB3]  }
0x2e: {  	s3 =	simm.s32 @!p0 $0x1082;
	s9 =	sld [smem:$0x3FB4]  }
0x2f: {  	lr =	sadd.s32 s0, s3;
	s0 =	sld [smem:$0x3FAB]  }
0x30: {  	s3 =	sld [smem:$0x3FAE]  }
0x31: {  	[smem:$0x3FB7] =	sst s10  }
0x32: {  	s10 =	sld [smem:$0x3FB5];
	_ =	sdelay $0x3  }
0x33: {  	p0 =	seq.s32 s10, $0x1;
	s10 =	sld [smem:$0x3FB7];
	_ =	sdelay $0x3  }
0x34: {  	[smem:$0x3FB7] =	sst s10  }
0x35: {  	s10 =	sld [smem:$0x3FB6];
	_ =	sdelay $0x3  }
0x36: {  	p1 =	seq.s32 s10, $0x1;
	s10 =	sld [smem:$0x3FB7];
	_ =	sdelay $0x3  }
0x37: {  	[smem:$0x3FB7] =	sst s10  }
0x38: {  	s10 =	sld [smem:$0x3FB8]  }
0x39: {  	_ = 	snop;
	(pc) =	sbr.ind lr, $3  }
0x3a: {  	_ = 	snop  }
0x3b: {  	_ = 	snop  }
0x3c: {  	p2 =	seq.s32 s10, $0x1;
	s10 =	sld [smem:$0x3FB7]  }
0x3d: {  	_ =	shalt  }
0x3e: {  	_ =	shalt  }
0x3f: {  	_ =	shalt  }
0x40: {  	_ =	shalt  }
0x41: {  	_ =	shalt  }
0x42: {  	_ =	shalt  }
0x43: {  	_ =	shalt  }
0x44: {  	_ =	shalt  }
0x45: {  	_ =	shalt  }
0x46: {  	_ =	shalt  }
0x47: {  	_ =	shalt  }
0x48: {  	_ =	shalt  }
0x49: {  	_ =	shalt  }
0x4a: {  	_ =	shalt  }
0x4b: {  	_ =	shalt  }
0x4c: {  	_ =	shalt  }
0x4d: {  	_ =	shalt  }
0x4e: {  	_ =	shalt  }
0x4f: {  	_ =	shalt  }
0x50: {  	_ =	shalt  }
0x51: {  	_ =	shalt  }
0x52: {  	_ =	shalt  }
0x53: {  	_ =	shalt  }
0x54: {  	_ =	shalt  }
0x55: {  	_ =	shalt  }
0x56: {  	_ =	shalt  }
0x57: {  	_ =	shalt  }
0x58: {  	_ =	shalt  }
0x59: {  	_ =	shalt  }
0x5a: {  	_ =	shalt  }
0x5b: {  	_ =	shalt  }
0x5c: {  	_ =	shalt  }
0x5d: {  	_ =	shalt  }
0x5e: {  	_ =	shalt  }
0x5f: {  	_ =	shalt  }
0x60: {  	_ =	shalt  }
0x61: {  	_ =	shalt  }
0x62: {  	_ =	shalt  }
0x63: {  	_ =	shalt  }
0x64: {  	_ =	shalt  }
0x65: {  	_ =	shalt  }
0x66: {  	_ =	shalt  }
0x67: {  	_ =	shalt  }
0x68: {  	_ =	shalt  }
0x69: {  	_ =	shalt  }
0x6a: {  	_ =	shalt  }
0x6b: {  	_ =	shalt  }
0x6c: {  	_ =	shalt  }
0x6d: {  	_ =	shalt  }
0x6e: {  	_ =	shalt  }
0x6f: {  	_ =	shalt  }
0x70: {  	_ =	shalt  }
0x71: {  	_ =	shalt  }
0x72: {  	_ =	shalt  }
0x73: {  	_ =	shalt  }
0x74: {  	_ =	shalt  }
0x75: {  	_ =	shalt  }
0x76: {  	_ =	shalt  }
0x77: {  	_ =	shalt  }
0x78: {  	_ =	shalt  }
0x79: {  	_ =	shalt  }
0x7a: {  	_ =	shalt  }
0x7b: {  	_ =	shalt  }
0x7c: {  	_ =	shalt  }
0x7d: {  	_ =	shalt  }
0x7e: {  	_ =	shalt  }
0x7f: {  	_ =	shalt  }
0x80: {  	_ =	shalt  }
0x81: {  	_ =	shalt  }
0x82: {  	_ =	shalt  }
0x83: {  	_ =	shalt  }
0x84: {  	_ =	shalt  }
0x85: {  	_ =	shalt  }
0x86: {  	_ =	shalt  }
0x87: {  	_ =	shalt  }
.Lfunc_end0:
.L_simem_size_0:
called_computation_lowered:
.L_overlay_start_0:
0x88: {  	s2 =	sld [smem:$0x3FD9]  }
0x89: {  	s3 =	sld [smem:$0x3FFE];
	_ =	sdelay $0x1  }
0x8a: {  	s1 =	srdreg.scid  }
0x8b: {  	s0 =	sand.u32 $0x1, s1  }
0x8c: {  	s17 =	sshll.u32 s0, $0xA;
	s2 =	sadd.s32 s3, s2  }
0x8d: {  	s2 =	sadd.s32 s2, s17  }
0x8e: {  	[smem:$0x3FC3] =	sst s2  }
0x8f: {  	_ = 	snop  }
0x90: {  	s2 =	sld [smem:$0x3FD0];
	(tm) =	ssettm $0x1  }
0x91: {  	s18 =	sld [smem:$0x3FFB];
	_ =	sdelay $0x3  }
0x92: {  	_ =	strace s18  }
0x93: {  	s3 =	sld [smem:$0x3FFC];
	_ =	sdelay $0x3  }
0x94: {  	_ =	strace s3  }
0x95: {  	s3 =	sld [smem:$0x3FFD];
	_ =	sdelay $0x3  }
0x96: {  	_ =	strace s3  }
0x97: {  	_ =	strace $0x8FFFFFFF  }
0x98: {  	s19 =	sld [smem:$0x3FDB];
	_ =	sdelay $0x1  }
0x99: {  	s4 =	simm.s32 $_scs_section_size  }
0x9a: {  	s5 =	simm.s32 $_size__tile_overlayer_lowered;
	s6 =	simm.s32 $_tile_overlayer_lowered  }
0x9b: {  	s22 =	simm.s32 $0x1BFF;
	s21 =	sshll.u32 s6, $0x1;
	s3 =	sadd.s32 s4, s19  }
0x9c: {  	s7 =	simm.s32 $0x0;
	s20 =	sshll.u32 s5, $0x1;
	s5 =	sadd.s32 s21, s3  }
0x9d: {  	[timem:s7], [sflag:s22] =	dma.local [hbm:s5], s20  }
0x9e: {  	_ =	swait.ge [sflag:s22], s20  }
0x9f: {  	s4 =	ssub.s32 $0x0, s20;
	[sflag:s22] =	ssyncset.done $0x0  }
0xa0: {  	[sflag:s22] =	ssyncadd.s32 s4;
	_ =	sdelay $0x1  }
0xa1: {  	s23 =	simm.s32 $0x1B8B  }
0xa2: {  	_ =	swait.ge [sflag:s23], $0x1  }
0xa3: {  	[sflag:s23] =	ssyncset.done $0x0  }
0xa4: {  	s25 =	simm.s32 $0x1B8E;
	s24 =	sld [smem:$0x3FFE];
	[sflag:s23] =	ssyncadd.s32 $0xFFFFFFFF  }
0xa5: {  	s26 =	simm.s32 $execute0_lowered;
	[smem:$0x3FD2] =	sst s25  }
0xa6: {  	s5 =	sshll.u32 s26, $0x1;
	_ =	strace $0x80000046;
	[dreg:$0x1] =	wrdreg $0xFFFFFFFF  }
0xa7: {  	s28 =	simm.s32 $_size_execute0_lowered;
	s3 =	sadd.s32 s3, s5;
	[dreg:$0x0] =	wrdreg $0x0  }
0xa8: {  	s5 =	sshll.u32 s28, $0x1;
	[dreg:$0x2] =	wrdreg s3  }
0xa9: {  	[dreg:$0x3] =	wrdreg s5  }
0xaa: {  	[dreg:$0x4] =	wrdreg $0xC0  }
0xab: {  	_ =	task [dreg:s7], $0x5FFFF  }
0xac: {  	[dreg:$0x1] =	wrdreg $0xFFFFFFFF  }
0xad: {  	[dreg:$0x0] =	wrdreg $0x60  }
0xae: {  	[dreg:$0x2] =	wrdreg s24  }
0xaf: {  	[dreg:$0x3] =	wrdreg s2  }
0xb0: {  	[dreg:$0x4] =	wrdreg $0x7A800  }
0xb1: {  	[dreg:$0x5] =	wrdreg $0x9  }
0xb2: {  	_ =	task.clear_ibuf [dreg:s7], $0x6FFFF;
	_ =	strace $0x90000046  }
0xb3: {  	s29 =	simm.s32 $0x9;
	_ =	strace $0x80000048  }
0xb4: {  	_ =	swait.ge [sflag:s29], $0x1  }
0xb5: {  	[sflag:s29] =	ssyncadd.s32 $0xFFFFFFFF  }
0xb6: {  	_ =	strace $0x90000048  }
0xb7: {  	_ =	sfence  }
0xb8: {  	s30 =	sld [smem:$0x0];
	_ =	sdelay $0x2  }
0xb9: {  	s31 =	sshll.u32 s1, $0xD;
	s1 =	sshrl.u32 s1, $0x2  }
0xba: {  	s3 =	sand.u32 $0x4000, s31;
	s1 =	sadd.s32 s1, s30  }
0xbb: {  	s0 =	sor.u32 s3, s0;
	s1 =	sshll.u32 s1, $0x11  }
0xbc: {  	s0 =	sor.u32 s1, s0  }
0xbd: {  	s0 =	sadd.s32 $0x8F2B, s0  }
0xbe: {  	[sflag:s0] =	ssyncadd.remote.s32 $0x1  }
0xbf: {  	_ =	sfence.sel $0xFFFF  }
0xc0: {  	[dreg:$0x0] =	wrdreg $0xFFFFFFFF;
	(pc) =	sbr.abs _section_cstart, $3  }
0xc1: {  	[dreg:$0x1] =	wrdreg $0xFFFFFFFF  }
0xc2: {  	_ =	task.clear_ibuf [dreg:s7], $0x2FFFF;
	_ =	strace $0x9FFFFFFF  }
0xc3: {  	(tm) =	ssettm $0x7FFFFFFF  }
tec
execute0_lowered:
.L_overlay_start_1:
0x0: {  	(tag) =	ssettag $0x1  }
0x1: {  	s3 =	rddreg [dreg:$0x0]  }
0x2: {  	s6 =	rddreg [dreg:$0x1]  }
0x3: {  	s0 =	srdreg.scid;
	s5 =	rddreg [dreg:$0x2]  }
0x4: {  	s1 =	stileid.u32;
	s2 =	simm.s32 $0x0;
	s12 =	simm.s32 $0x2  }
0x5: {  	s13 =	simm.s32 $0x1400;
	s14 =	simm.s32 $0x14000;
	s15 =	simm.s32 $0x5000  }
0x6: {  	s16 =	simm.s32 $0x100;
	s4 =	sand.u32 $0x1, s0;
	s0 =	rddreg [dreg:$0x3]  }
0x7: {  	s17 =	simm.s32 $0x7800;
	s18 =	simm.s32 $0x0;
	[smem:$0x7FF] =	sst s2  }
0x8: {  	s9 =	sshrl.u32 s1, $0x3;
	s28 =	smul.u32 $0x500, s1;
	s29 =	sshll.u32 s1, $0x7  }
0x9: {  	s11 =	smul.u32 $0x5000, s1;
	s7 =	sshll.u32 s4, $0x4;
	_ =	strace $0x80000047  }
0xa: {  	s8 =	ssub.s32 $0x2, s4;
	s26 =	smul.u32 $0x50000, s9;
	s7 =	sor.u32 s1, s7  }
0xb: {  	s4 =	sshll.u32 s4, $0x7;
	s9 =	simm.s32 $0x2800;
	s7 =	smul.u32 $0x2800, s7  }
0xc: {  	s10 =	sshrl.u32 s8, $0x1;
	s4 =	sor.u32 s4, s28;
	s30 =	sshrl.u32 s11, $0x2  }
0xd: {  	s11 =	simm.s32 $0x400;
	s8 =	ssub.s32 s8, s10;
	s7 =	sshrl.u32 s7, $0x3  }
0xe: {  	s31 =	sshrl.u32 s4, $0x3;
	s3 =	sadd.s32 s3, s7;
	s7 =	sshrl.u32 s26, $0x2  }
0xf: {  	s10 =	sand.u32 $0x380, s29;
	s6 =	sadd.s32 s6, s31;
	s7 =	sadd.s32 s7, s5  }
0x10: {  	s3 =	sadd.s32 $0xC200, s3;
	s5 =	sadd.s32 s30, s5;
	s4 =	sadd.s32 s10, s7  }
0x11: {  	v0 =	vimm.f32 $0.0e+00;
	v1 =	vimm.f32 $1.000000000e+00;
	s7 =	smax.u32 s8, $0x1;
	s8 =	simm.s32 $0x1;
	s10 =	simm.s32 $0x80  }
.LBB2_1:
0x12: {  	[tilespmem:s2], [sflag:$0x1] =	stream.linear.gather [hbm4b:s3+s2], $0x2800, $0x38;
	[tilespmem:$0xA280] =	vst v63  }
0x13: {  	_ =	swait.ge [sflag:s8], $0x2800  }
0x14: {  	[sflag:s8] =	ssyncset.done $0x0  }
0x15: {  	s19 =	simm.s32 $0x0;
	[sflag:s8] =	ssyncadd.s32 $0xFFFFD800  }
.LBB2_2:
0x16: {  	p0 =	sne.s32 s19, $0x9FC0  }
.Ltmp0:
0x17: {  	_ = 	snop;
	(pc) =	sbr.rel @p0 .LBB2_2-.Ltmp0, $3  }
0x18: {  	_ =	sdelay $0x1  }
0x19: {  	s20 =	sshra.s32 s19, $0x2  }
0x1a: {  	s19 =	sadd.s32 $0x40, s19;
	[tilespmem:s20+$0x2800] =	vst v0  }
0x1b: {  	s19 =	simm.s32 $0x1C0  }
.LBB2_4:
0x1c: {  	s20 =	sshra.s32 s19, $0x2  }
0x1d: {  	v2 =	vld [tilespmem:s20+$0xFFFFFF90];
	_ =	sdelay $0x7  }
0x1e: {  	[tilespmem:v2+s9+$0x0] =	vst.idx.add.f32.msk $0xffff, v1  }
0x1f: {  	v2 =	vld [tilespmem:s20+$0xFFFFFFA0];
	_ =	sdelay $0x7  }
0x20: {  	[tilespmem:v2+s9+$0x0] =	vst.idx.add.f32.msk $0xffff, v1  }
0x21: {  	v2 =	vld [tilespmem:s20+$0xFFFFFFB0];
	_ =	sdelay $0x7  }
0x22: {  	[tilespmem:v2+s9+$0x0] =	vst.idx.add.f32.msk $0xffff, v1  }
0x23: {  	v2 =	vld [tilespmem:s20+$0xFFFFFFC0];
	_ =	sdelay $0x7  }
0x24: {  	[tilespmem:v2+s9+$0x0] =	vst.idx.add.f32.msk $0xffff, v1  }
0x25: {  	v2 =	vld [tilespmem:s20+$0xFFFFFFD0];
	_ =	sdelay $0x7  }
0x26: {  	[tilespmem:v2+s9+$0x0] =	vst.idx.add.f32.msk $0xffff, v1  }
0x27: {  	v2 =	vld [tilespmem:s20+$0xFFFFFFE0];
	_ =	sdelay $0x7  }
0x28: {  	[tilespmem:v2+s9+$0x0] =	vst.idx.add.f32.msk $0xffff, v1  }
0x29: {  	v2 =	vld [tilespmem:s20+$0xFFFFFFF0];
	_ =	sdelay $0x7  }
0x2a: {  	[tilespmem:v2+s9+$0x0] =	vst.idx.add.f32.msk $0xffff, v1  }
0x2b: {  	v2 =	vld [tilespmem:s20+$0x0];
	_ =	sdelay $0x2  }
0x2c: {  	p0 =	sne.s32 s19, $0x9FC0  }
.Ltmp1:
0x2d: {  	_ = 	snop;
	(pc) =	sbr.rel @p0 .LBB2_4-.Ltmp1, $2  }
0x2e: {  	_ =	sdelay $0x2  }
0x2f: {  	s19 =	sadd.s32 $0x200, s19;
	[tilespmem:v2+s9+$0x0] =	vst.idx.add.f32.msk $0xffff, v1  }
0x30: {  	[spmem:s4] =	stream.strided.scatter [tilespmem:s9], [sflag:$0x2], $0x2800, s11, s10, $0x38;
	[tilespmem:$0xA280] =	vst v63  }
0x31: {  	_ =	swait.ge [sflag:s12], $0x2800  }
0x32: {  	[sflag:s12] =	ssyncset.done $0x0  }
0x33: {  	[sflag:s12] =	ssyncadd.s32 $0xFFFFD800  }
0x34: {  	[bflag:$0x0] =	sbarrier.arrive $0xFFFF  }
0x35: {  	[tilespmem:s15], [sflag:$0x1] =	stream.strided.gather [spmem:s5], $0x2800, s14, s13, $0x38;
	[tilespmem:$0xA280] =	vst v63  }
0x36: {  	s19 =	simm.s32 $0x0;
	_ =	swait.ge [sflag:s8], $0x2800  }
0x37: {  	s20 =	sand.u32 $0x70, s19;
	s19 =	sand.u32 $0x1C00, s19;
	[sflag:s8] =	ssyncset.done $0x0  }
0x38: {  	s19 =	sor.u32 s20, s19;
	[sflag:s8] =	ssyncadd.s32 $0xFFFFD800  }
0x39: {  	v2 =	vld [tilespmem:s19+$0x5080]  }
0x3a: {  	v3 =	vld [tilespmem:s19+$0x5000];
	_ =	sdelay $0x1  }
0x3b: {  	v4 =	vld [tilespmem:s19+$0x5100];
	_ =	sdelay $0x1  }
0x3c: {  	v5 =	vld [tilespmem:s19+$0x5180]  }
0x3d: {  	v2 =	vadd.f32 v2, v3  }
0x3e: {  	v3 =	vld [tilespmem:s19+$0x5200]  }
0x3f: {  	v2 =	vadd.f32 v4, v2  }
0x40: {  	v56 =	vld [tilespmem:s19+$0x5280]  }
0x41: {  	v2 =	vadd.f32 v5, v2  }
0x42: {  	v57 =	vld [tilespmem:s19+$0x5300]  }
0x43: {  	v2 =	vadd.f32 v3, v2  }
0x44: {  	v3 =	vld [tilespmem:s19+$0x5380]  }
0x45: {  	v2 =	vadd.f32 v56, v2  }
0x46: {  	v58 =	vld [tilespmem:s19+$0x6400]  }
0x47: {  	v2 =	vadd.f32 v57, v2  }
0x48: {  	v59 =	vld [tilespmem:s19+$0x6480]  }
0x49: {  	v2 =	vadd.f32 v3, v2  }
0x4a: {  	v3 =	vld [tilespmem:s19+$0x6500]  }
0x4b: {  	v2 =	vadd.f32 v58, v2  }
0x4c: {  	v60 =	vld [tilespmem:s19+$0x6580]  }
0x4d: {  	v2 =	vadd.f32 v59, v2  }
0x4e: {  	v61 =	vld [tilespmem:s19+$0x6600]  }
0x4f: {  	v2 =	vadd.f32 v3, v2  }
0x50: {  	v3 =	vld [tilespmem:s19+$0x6680]  }
0x51: {  	v2 =	vadd.f32 v60, v2  }
0x52: {  	v62 =	vld [tilespmem:s19+$0x6700]  }
0x53: {  	v2 =	vadd.f32 v61, v2  }
0x54: {  	v63 =	vld [tilespmem:s19+$0x6780]  }
0x55: {  	v2 =	vadd.f32 v3, v2;
	_ =	sdelay $0x1  }
0x56: {  	v2 =	vadd.f32 v62, v2;
	_ =	sdelay $0x1  }
0x57: {  	s31 =	simm.s32 $0x10;
	s21 =	simm.s32 $0x80;
	v2 =	vadd.f32 v63, v2  }
0x58: {  	s22 =	sand.u32 $0x1C00, s21;
	s20 =	sand.u32 $0x70, s31;
	s19 =	simm.s32 $0x7800  }
0x59: {  	s20 =	sor.u32 s20, s22;
	s22 =	simm.s32 $0x20;
	[tilespmem:s19+$0x0] =	vst v2  }
.LBB2_6:
0x5a: {  	p0 =	sne.s32 s22, $0x270;
	v2 =	vld [tilespmem:s20+$0x5080]  }
0x5b: {  	v3 =	vld [tilespmem:s20+$0x5000];
	_ =	sdelay $0x1  }
0x5c: {  	v4 =	vld [tilespmem:s20+$0x5100];
	_ =	sdelay $0x1  }
0x5d: {  	v5 =	vld [tilespmem:s20+$0x5180]  }
0x5e: {  	v2 =	vadd.f32 v2, v3  }
0x5f: {  	v3 =	vld [tilespmem:s20+$0x5200]  }
0x60: {  	v2 =	vadd.f32 v4, v2  }
0x61: {  	v4 =	vld [tilespmem:s20+$0x5280]  }
0x62: {  	v2 =	vadd.f32 v5, v2  }
0x63: {  	v5 =	vld [tilespmem:s20+$0x5300]  }
0x64: {  	v2 =	vadd.f32 v3, v2  }
0x65: {  	v3 =	vld [tilespmem:s20+$0x5380]  }
0x66: {  	v2 =	vadd.f32 v4, v2  }
0x67: {  	v4 =	vld [tilespmem:s20+$0x6400]  }
0x68: {  	v2 =	vadd.f32 v5, v2  }
0x69: {  	v5 =	vld [tilespmem:s20+$0x6480]  }
0x6a: {  	v2 =	vadd.f32 v3, v2  }
0x6b: {  	v3 =	vld [tilespmem:s20+$0x6500]  }
0x6c: {  	v2 =	vadd.f32 v4, v2  }
0x6d: {  	v4 =	vld [tilespmem:s20+$0x6580]  }
0x6e: {  	v2 =	vadd.f32 v5, v2  }
0x6f: {  	v5 =	vld [tilespmem:s20+$0x6600]  }
0x70: {  	v2 =	vadd.f32 v3, v2  }
0x71: {  	v3 =	vld [tilespmem:s20+$0x6680]  }
0x72: {  	v2 =	vadd.f32 v4, v2  }
0x73: {  	v4 =	vld [tilespmem:s20+$0x6700]  }
0x74: {  	v2 =	vadd.f32 v5, v2  }
0x75: {  	v5 =	vld [tilespmem:s20+$0x6780]  }
0x76: {  	v2 =	vadd.f32 v3, v2;
	_ =	sdelay $0x1  }
.Ltmp2:
0x77: {  	v2 =	vadd.f32 v4, v2;
	(pc) =	sbr.rel @p0 .LBB2_6-.Ltmp2, $4  }
0x78: {  	_ = 	snop  }
0x79: {  	s21 =	sadd.s32 $0x80, s21;
	v2 =	vadd.f32 v5, v2  }
0x7a: {  	s19 =	sadd.s32 $0x10, s19;
	s23 =	sand.u32 $0x1C00, s21;
	s20 =	sand.u32 $0x70, s22  }
0x7b: {  	s22 =	sadd.s32 $0x10, s22;
	s20 =	sor.u32 s20, s23;
	[tilespmem:s19+$0x0] =	vst v2  }
0x7c: {  	v2 =	vld [tilespmem:s20+$0x5080]  }
0x7d: {  	v3 =	vld [tilespmem:s20+$0x5000];
	_ =	sdelay $0x1  }
0x7e: {  	v4 =	vld [tilespmem:s20+$0x5100];
	_ =	sdelay $0x1  }
0x7f: {  	v5 =	vld [tilespmem:s20+$0x5180]  }
0x80: {  	v2 =	vadd.f32 v2, v3  }
0x81: {  	v3 =	vld [tilespmem:s20+$0x5200]  }
0x82: {  	v2 =	vadd.f32 v4, v2  }
0x83: {  	v56 =	vld [tilespmem:s20+$0x5280]  }
0x84: {  	v2 =	vadd.f32 v5, v2  }
0x85: {  	v57 =	vld [tilespmem:s20+$0x5300]  }
0x86: {  	v2 =	vadd.f32 v3, v2  }
0x87: {  	v3 =	vld [tilespmem:s20+$0x5380]  }
0x88: {  	v2 =	vadd.f32 v56, v2  }
0x89: {  	v58 =	vld [tilespmem:s20+$0x6400]  }
0x8a: {  	v2 =	vadd.f32 v57, v2  }
0x8b: {  	v59 =	vld [tilespmem:s20+$0x6480]  }
0x8c: {  	v2 =	vadd.f32 v3, v2  }
0x8d: {  	v3 =	vld [tilespmem:s20+$0x6500]  }
0x8e: {  	v2 =	vadd.f32 v58, v2  }
0x8f: {  	v60 =	vld [tilespmem:s20+$0x6580]  }
0x90: {  	v2 =	vadd.f32 v59, v2  }
0x91: {  	v61 =	vld [tilespmem:s20+$0x6600]  }
0x92: {  	v2 =	vadd.f32 v3, v2  }
0x93: {  	v3 =	vld [tilespmem:s20+$0x6680]  }
0x94: {  	v2 =	vadd.f32 v60, v2  }
0x95: {  	v62 =	vld [tilespmem:s20+$0x6700]  }
0x96: {  	v2 =	vadd.f32 v61, v2  }
0x97: {  	v63 =	vld [tilespmem:s20+$0x6780]  }
0x98: {  	v2 =	vadd.f32 v3, v2;
	_ =	sdelay $0x1  }
0x99: {  	v2 =	vadd.f32 v62, v2;
	_ =	sdelay $0x1  }
0x9a: {  	s18 =	sadd.s32 $0x1, s18;
	v2 =	vadd.f32 v63, v2  }
0x9b: {  	s19 =	sadd.s32 $0x10, s19;
	p0 =	sne.s32 s18, s7  }
.Ltmp3:
0x9c: {  	[tilespmem:s19+$0x0] =	vst v2;
	(pc) =	sbr.rel @p0 .LBB2_1-.Ltmp3, $4  }
0x9d: {  	[hbm4b:s6+s10] =	stream.strided.scatter [tilespmem:s17], [sflag:$0x1], $0x280, s16, s10, $0x38;
	[tilespmem:$0xA280] =	vst v63  }
0x9e: {  	_ =	swait.ge [sflag:s8], $0x280  }
0x9f: {  	[sflag:s8] =	ssyncset.done $0x0  }
0xa0: {  	[sflag:s8] =	ssyncadd.s32 $0xFFFFFD80  }
0xa1: {  	_ =	sfence.sel $0x180000  }
0xa2: {  	[bflag:$0x0] =	sbarrier.arrive $0xFFFF  }
0xa3: {  	p0 =	sne.s32 s1, $0x0;
	_ =	strace $0x90000047  }
0xa4: {  	s0 =	sadd.s32 @!p0 $0x100000, s0;
	[bflag:$0x2] =	sbarrier.arrive $0xFFFF  }
0xa5: {  	[sflag:s0] =	ssyncadd.tile.s32 @!p0 $0x1;
	_ =	shalt  }
.Lfunc_end2:
_tile_overlayer_lowered:
.L_overlay_start_2:
0xa6: {  	(tag) =	ssettag $0x2  }
0xa7: {  	s0 =	rddreg [dreg:$0x0];
	s2 =	stileid.u32  }
0xa8: {  	s1 =	rddreg [dreg:$0x1];
	p0 =	sne.s32 s2, $0x0  }
0xa9: {  	s3 =	rddreg [dreg:$0x2];
	[bflag:$0x3] =	sbarrier.arrive $0xFFFF;
	s2 =	simm.s32 @!p0 $0x1C02  }
0xaa: {  	[timem:s3], [sflag:s2] =	dma.local @!p0 [hbm:s0], s1  }
0xab: {  	s0 =	simm.s32 @!p0 $0x2  }
0xac: {  	_ =	swait.ge @!p0 [sflag:s0], s1  }
0xad: {  	s1 =	ssub.s32 @!p0 $0x0, s1;
	[sflag:s0] =	ssyncset.done @!p0 $0x0  }
0xae: {  	[sflag:s0] =	ssyncadd.s32 @!p0 s1  }
0xaf: {  	[bflag:$0x3] =	sbarrier.arrive $0xFFFF  }
0xb0: {  	_ =	shalt  }

// kernel: kernel.9.cloned.1.call-start
scs
__scs_entry_jumppad:
0x0: {  	(pc) =	sbr.rel $0x88, $3  }
0x1: {  	(tag) =	ssettag $0x0;
	lr =	simm.s32 $0x1  }
0x2: {  	[smem:$0x3F9C] =	sst lr;
	_ =	strace $0xD0000000  }
0x3: {  	_ = 	snop  }
0x4: {  	_ = 	snop  }
0x5: {  	_ = 	snop  }
0x6: {  	_ = 	snop  }
0x7: {  	_ = 	snop  }
__scs_overlays_trampoline_lowered:
0x8: {  	[smem:$0x3FAB] =	sst s0  }
0x9: {  	[smem:$0x3FAC] =	sst s1  }
0xa: {  	[smem:$0x3FAD] =	sst s2  }
0xb: {  	[smem:$0x3FAE] =	sst s3  }
0xc: {  	[smem:$0x3FAF] =	sst s4  }
0xd: {  	[smem:$0x3FB0] =	sst s5  }
0xe: {  	[smem:$0x3FB1] =	sst s6  }
0xf: {  	[smem:$0x3FB2] =	sst s7  }
0x10: {  	[smem:$0x3FB3] =	sst s8  }
0x11: {  	[smem:$0x3FB4] =	sst s9;
	s0 =	simm.s32 @!p0 $0x0  }
0x12: {  	s1 =	sld [smem:$0x3F9A];
	s0 =	simm.s32 @p0 $0x1  }
0x13: {  	[smem:$0x3FB5] =	sst s0;
	s0 =	simm.s32 @!p1 $0x0  }
0x14: {  	s2 =	sld [smem:$0x3F99];
	s0 =	simm.s32 @p1 $0x1  }
0x15: {  	[smem:$0x3FB6] =	sst s0;
	s0 =	simm.s32 @!p2 $0x0  }
0x16: {  	s3 =	sld [smem:$0x3FDB];
	s0 =	simm.s32 @p2 $0x1  }
0x17: {  	s4 =	simm.s32 $0x1BF5;
	[smem:$0x3FB8] =	sst s0  }
0x18: {  	s0 =	sld [smem:$0x3F9B];
	_ =	swait.ge [sflag:s4], $0x0  }
0x19: {  	s7 =	sld [smem:$0x3F9C]  }
0x1a: {  	s8 =	sadd.s32 $0xFFFFE003, lr  }
0x1b: {  	s9 =	sadd.s32 $0xFFFFFEF7, lr;
	s5 =	simm.s32 $0xFFFFFFFF;
	p2 =	slt.u32 s8, $0xFFFFF086  }
0x1c: {  	p1 =	slt.u32 s9, $0xF7A;
	s5 =	simm.s32 @!p2 $0x0  }
0x1d: {  	s5 =	simm.s32 @p1 $0x1;
	p0 =	seq.s32 s7, s2  }
0x1e: {  	s7 =	smul.u32 @!p0 $0xF7A, s2;
	p2 =	seq.s32 @!p0 s5, $0x0  }
0x1f: {  	s9 =	smul.u32 $0xF7A, s1;
	s8 =	simm.s32 @!p0 $0x1BF5;
	p2 =	por !p2, p0  }
0x20: {  	[sflag:s8] =	ssyncset.s32 @!p0 $0xFFFFF086;
	s6 =	sadd.s32 @!p0 s3, s7;
	s7 =	simm.s32 @!p0 $0x108  }
0x21: {  	s3 =	sadd.s32 s3, s9;
	s6 =	sadd.s32 @!p0 $0x88, s6;
	s7 =	simm.s32 @p2 $0x1082  }
0x22: {  	[simem:s7], [sflag:s8] =	dma.local @!p0 [hbm:s6], $0xF7A  }
0x23: {  	s9 =	sor.u32 $0xD0000000, s2;
	s6 =	simm.s32 $0x108;
	_ =	swait.ge @!p0 [sflag:s8], $0x0  }
0x24: {  	s3 =	sadd.s32 $0x88, s3;
	s6 =	simm.s32 @!p1 $0x1082;
	[sflag:s4] =	ssyncset.s32 $0xFFFFF086  }
0x25: {  	[simem:s6], [sflag:s4] =	dma.local [hbm:s3], $0xF7A  }
0x26: {  	[smem:$0x3F9C] =	sst s1;
	(tag) =	ssettag s2;
	_ =	strace s9  }
0x27: {  	s1 =	sld [smem:$0x3FAC]  }
0x28: {  	s2 =	sld [smem:$0x3FAD]  }
0x29: {  	s4 =	sld [smem:$0x3FAF]  }
0x2a: {  	p0 =	seq.s32 s5, $0x0;
	s5 =	sld [smem:$0x3FB0]  }
0x2b: {  	s6 =	sld [smem:$0x3FB1]  }
0x2c: {  	s7 =	sld [smem:$0x3FB2]  }
0x2d: {  	s3 =	simm.s32 $0x108;
	s8 =	sld [smem:$0x3FB3]  }
0x2e: {  	s3 =	simm.s32 @!p0 $0x1082;
	s9 =	sld [smem:$0x3FB4]  }
0x2f: {  	lr =	sadd.s32 s0, s3;
	s0 =	sld [smem:$0x3FAB]  }
0x30: {  	s3 =	sld [smem:$0x3FAE]  }
0x31: {  	[smem:$0x3FB7] =	sst s10  }
0x32: {  	s10 =	sld [smem:$0x3FB5];
	_ =	sdelay $0x3  }
0x33: {  	p0 =	seq.s32 s10, $0x1;
	s10 =	sld [smem:$0x3FB7];
	_ =	sdelay $0x3  }
0x34: {  	[smem:$0x3FB7] =	sst s10  }
0x35: {  	s10 =	sld [smem:$0x3FB6];
	_ =	sdelay $0x3  }
0x36: {  	p1 =	seq.s32 s10, $0x1;
	s10 =	sld [smem:$0x3FB7];
	_ =	sdelay $0x3  }
0x37: {  	[smem:$0x3FB7] =	sst s10  }
0x38: {  	s10 =	sld [smem:$0x3FB8]  }
0x39: {  	_ = 	snop;
	(pc) =	sbr.ind lr, $3  }
0x3a: {  	_ = 	snop  }
0x3b: {  	_ = 	snop  }
0x3c: {  	p2 =	seq.s32 s10, $0x1;
	s10 =	sld [smem:$0x3FB7]  }
0x3d: {  	_ =	shalt  }
0x3e: {  	_ =	shalt  }
0x3f: {  	_ =	shalt  }
0x40: {  	_ =	shalt  }
0x41: {  	_ =	shalt  }
0x42: {  	_ =	shalt  }
0x43: {  	_ =	shalt  }
0x44: {  	_ =	shalt  }
0x45: {  	_ =	shalt  }
0x46: {  	_ =	shalt  }
0x47: {  	_ =	shalt  }
0x48: {  	_ =	shalt  }
0x49: {  	_ =	shalt  }
0x4a: {  	_ =	shalt  }
0x4b: {  	_ =	shalt  }
0x4c: {  	_ =	shalt  }
0x4d: {  	_ =	shalt  }
0x4e: {  	_ =	shalt  }
0x4f: {  	_ =	shalt  }
0x50: {  	_ =	shalt  }
0x51: {  	_ =	shalt  }
0x52: {  	_ =	shalt  }
0x53: {  	_ =	shalt  }
0x54: {  	_ =	shalt  }
0x55: {  	_ =	shalt  }
0x56: {  	_ =	shalt  }
0x57: {  	_ =	shalt  }
0x58: {  	_ =	shalt  }
0x59: {  	_ =	shalt  }
0x5a: {  	_ =	shalt  }
0x5b: {  	_ =	shalt  }
0x5c: {  	_ =	shalt  }
0x5d: {  	_ =	shalt  }
0x5e: {  	_ =	shalt  }
0x5f: {  	_ =	shalt  }
0x60: {  	_ =	shalt  }
0x61: {  	_ =	shalt  }
0x62: {  	_ =	shalt  }
0x63: {  	_ =	shalt  }
0x64: {  	_ =	shalt  }
0x65: {  	_ =	shalt  }
0x66: {  	_ =	shalt  }
0x67: {  	_ =	shalt  }
0x68: {  	_ =	shalt  }
0x69: {  	_ =	shalt  }
0x6a: {  	_ =	shalt  }
0x6b: {  	_ =	shalt  }
0x6c: {  	_ =	shalt  }
0x6d: {  	_ =	shalt  }
0x6e: {  	_ =	shalt  }
0x6f: {  	_ =	shalt  }
0x70: {  	_ =	shalt  }
0x71: {  	_ =	shalt  }
0x72: {  	_ =	shalt  }
0x73: {  	_ =	shalt  }
0x74: {  	_ =	shalt  }
0x75: {  	_ =	shalt  }
0x76: {  	_ =	shalt  }
0x77: {  	_ =	shalt  }
0x78: {  	_ =	shalt  }
0x79: {  	_ =	shalt  }
0x7a: {  	_ =	shalt  }
0x7b: {  	_ =	shalt  }
0x7c: {  	_ =	shalt  }
0x7d: {  	_ =	shalt  }
0x7e: {  	_ =	shalt  }
0x7f: {  	_ =	shalt  }
0x80: {  	_ =	shalt  }
0x81: {  	_ =	shalt  }
0x82: {  	_ =	shalt  }
0x83: {  	_ =	shalt  }
0x84: {  	_ =	shalt  }
0x85: {  	_ =	shalt  }
0x86: {  	_ =	shalt  }
0x87: {  	_ =	shalt  }
.Lfunc_end0:
.L_simem_size_0:
called_computation.1_lowered:
.L_overlay_start_0:
0x88: {  	s2 =	sld [smem:$0x3FD9]  }
0x89: {  	s3 =	sld [smem:$0x3FFE];
	_ =	sdelay $0x1  }
0x8a: {  	s1 =	srdreg.scid  }
0x8b: {  	s0 =	sand.u32 $0x1, s1  }
0x8c: {  	s17 =	sshll.u32 s0, $0xA;
	s2 =	sadd.s32 s3, s2  }
0x8d: {  	s2 =	sadd.s32 s2, s17  }
0x8e: {  	[smem:$0x3FC3] =	sst s2  }
0x8f: {  	_ = 	snop  }
0x90: {  	s2 =	sld [smem:$0x3FD0];
	(tm) =	ssettm $0x1  }
0x91: {  	s18 =	sld [smem:$0x3FFB];
	_ =	sdelay $0x3  }
0x92: {  	_ =	strace s18  }
0x93: {  	s3 =	sld [smem:$0x3FFC];
	_ =	sdelay $0x3  }
0x94: {  	_ =	strace s3  }
0x95: {  	s3 =	sld [smem:$0x3FFD];
	_ =	sdelay $0x3  }
0x96: {  	_ =	strace s3  }
0x97: {  	_ =	strace $0x8FFFFFFF  }
0x98: {  	s19 =	sld [smem:$0x3FDB];
	_ =	sdelay $0x1  }
0x99: {  	s4 =	simm.s32 $_scs_section_size  }
0x9a: {  	s5 =	simm.s32 $_size__tile_overlayer_lowered;
	s6 =	simm.s32 $_tile_overlayer_lowered  }
0x9b: {  	s22 =	simm.s32 $0x1BFF;
	s21 =	sshll.u32 s6, $0x1;
	s3 =	sadd.s32 s4, s19  }
0x9c: {  	s7 =	simm.s32 $0x0;
	s20 =	sshll.u32 s5, $0x1;
	s5 =	sadd.s32 s21, s3  }
0x9d: {  	[timem:s7], [sflag:s22] =	dma.local [hbm:s5], s20  }
0x9e: {  	_ =	swait.ge [sflag:s22], s20  }
0x9f: {  	s4 =	ssub.s32 $0x0, s20;
	[sflag:s22] =	ssyncset.done $0x0  }
0xa0: {  	[sflag:s22] =	ssyncadd.s32 s4;
	_ =	sdelay $0x1  }
0xa1: {  	s23 =	simm.s32 $0x1B8B  }
0xa2: {  	_ =	swait.ge [sflag:s23], $0x1  }
0xa3: {  	[sflag:s23] =	ssyncset.done $0x0  }
0xa4: {  	s25 =	simm.s32 $0x1B8E;
	s24 =	sld [smem:$0x3FFE];
	[sflag:s23] =	ssyncadd.s32 $0xFFFFFFFF  }
0xa5: {  	s26 =	simm.s32 $execute0_lowered;
	[smem:$0x3FD2] =	sst s25  }
0xa6: {  	s5 =	sshll.u32 s26, $0x1;
	_ =	strace $0x80000049;
	[dreg:$0x1] =	wrdreg $0xFFFFFFFF  }
0xa7: {  	s28 =	simm.s32 $_size_execute0_lowered;
	s3 =	sadd.s32 s3, s5;
	[dreg:$0x0] =	wrdreg $0x0  }
0xa8: {  	s5 =	sshll.u32 s28, $0x1;
	[dreg:$0x2] =	wrdreg s3  }
0xa9: {  	[dreg:$0x3] =	wrdreg s5  }
0xaa: {  	[dreg:$0x4] =	wrdreg $0xC0  }
0xab: {  	_ =	task [dreg:s7], $0x5FFFF  }
0xac: {  	[dreg:$0x1] =	wrdreg $0xFFFFFFFF  }
0xad: {  	[dreg:$0x0] =	wrdreg $0x60  }
0xae: {  	[dreg:$0x2] =	wrdreg s2  }
0xaf: {  	[dreg:$0x3] =	wrdreg s24  }
0xb0: {  	[dreg:$0x4] =	wrdreg $0xA8000  }
0xb1: {  	[dreg:$0x5] =	wrdreg $0x9  }
0xb2: {  	_ =	task.clear_ibuf [dreg:s7], $0x6FFFF;
	_ =	strace $0x90000049  }
0xb3: {  	s29 =	simm.s32 $0x9;
	_ =	strace $0x8000004B  }
0xb4: {  	_ =	swait.ge [sflag:s29], $0x1  }
0xb5: {  	[sflag:s29] =	ssyncadd.s32 $0xFFFFFFFF  }
0xb6: {  	_ =	strace $0x9000004B  }
0xb7: {  	_ =	sfence  }
0xb8: {  	s30 =	sld [smem:$0x0];
	_ =	sdelay $0x2  }
0xb9: {  	s31 =	sshll.u32 s1, $0xD;
	s1 =	sshrl.u32 s1, $0x2  }
0xba: {  	s3 =	sand.u32 $0x4000, s31;
	s1 =	sadd.s32 s1, s30  }
0xbb: {  	s0 =	sor.u32 s3, s0;
	s1 =	sshll.u32 s1, $0x11  }
0xbc: {  	s0 =	sor.u32 s1, s0  }
0xbd: {  	s0 =	sadd.s32 $0x8F2B, s0  }
0xbe: {  	[sflag:s0] =	ssyncadd.remote.s32 $0x1  }
0xbf: {  	_ =	sfence.sel $0xFFFF  }
0xc0: {  	[dreg:$0x0] =	wrdreg $0xFFFFFFFF;
	(pc) =	sbr.abs _section_cstart, $3  }
0xc1: {  	[dreg:$0x1] =	wrdreg $0xFFFFFFFF  }
0xc2: {  	_ =	task.clear_ibuf [dreg:s7], $0x2FFFF;
	_ =	strace $0x9FFFFFFF  }
0xc3: {  	(tm) =	ssettm $0x7FFFFFFF  }
tec
execute0_lowered:
.L_overlay_start_1:
0x0: {  	(tag) =	ssettag $0x1  }
0x1: {  	s1 =	rddreg [dreg:$0x0]  }
0x2: {  	s6 =	rddreg [dreg:$0x1]  }
0x3: {  	s5 =	rddreg [dreg:$0x2];
	s2 =	srdreg.scid  }
0x4: {  	s0 =	rddreg [dreg:$0x3];
	s3 =	simm.s32 $0x0;
	s14 =	simm.s32 $0x1400  }
0x5: {  	s15 =	simm.s32 $0x80;
	s16 =	simm.s32 $0x2800;
	s17 =	simm.s32 $0x6800  }
0x6: {  	s18 =	simm.s32 $0x2;
	s19 =	simm.s32 $0x3;
	s20 =	simm.s32 $0x1380  }
0x7: {  	s21 =	simm.s32 $0x0;
	s7 =	sand.u32 $0x1, s2;
	s2 =	stileid.u32  }
0x8: {  	[smem:$0x7FF] =	sst s3;
	s10 =	sadd.s32 $0x2200, s6;
	s8 =	smul.u32 $0x140000, s7  }
0x9: {  	s4 =	sadd.s32 $0x16200, s6;
	s31 =	sadd.s32 $0xC200, s6;
	s9 =	smul.u32 $0x14000, s2  }
0xa: {  	_ =	strace $0x8000004A;
	s26 =	ssub.s32 $0x2, s7;
	s12 =	smul.u32 $0x50000, s2  }
0xb: {  	s7 =	sshll.u32 s7, $0x4;
	s29 =	sshll.u32 s2, $0x6;
	s11 =	sshrl.u32 s26, $0x1  }
0xc: {  	s7 =	sor.u32 s2, s7;
	s8 =	sadd.s32 s9, s8;
	s9 =	ssub.s32 s26, s11  }
0xd: {  	s28 =	sshrl.u32 s12, $0x2;
	s30 =	smul.u32 $0x500, s7;
	s8 =	sshrl.u32 s8, $0x3  }
0xe: {  	s13 =	sadd.s32 s28, s5;
	s5 =	sor.u32 $0x1C01, s29;
	s7 =	smax.u32 s9, $0x1  }
0xf: {  	s8 =	sadd.s32 s8, s6;
	s9 =	sadd.s32 s30, s31;
	s11 =	sadd.s32 $0x280, s30  }
0x10: {  	s12 =	sshrl.u32 s13, $0x3;
	s13 =	simm.s32 $0x1;
	s6 =	sadd.s32 $0x18A00, s8  }
0x11: {  	s8 =	sadd.s32 s10, s30;
	s10 =	sadd.s32 s10, s11;
	s11 =	sadd.s32 s11, s31  }
.LBB2_1:
0x12: {  	[spmem:s12], [sflag:s5] =	dma.local [hbm:s4], $0x2800  }
0x13: {  	_ =	swait.ge [sflag:s13], $0x2800  }
0x14: {  	[sflag:s13] =	ssyncset.done $0x0  }
0x15: {  	[sflag:s13] =	ssyncadd.s32 $0xFFFFD800  }
0x16: {  	[bflag:$0x0] =	sbarrier.arrive $0xFFFF  }
0x17: {  	[tilespmem:s3], [sflag:$0x1] =	stream.linear.gather [hbm4b:s8+s3], $0x1400, $0x38;
	[tilespmem:$0x1E800] =	vst v63  }
0x18: {  	_ = 	snop  }
0x19: {  	[tilespmem:s14], [sflag:$0x1] =	stream.linear.gather [hbm4b:s9+s3], $0x1400, $0x38;
	[tilespmem:$0x1E800] =	vst v63  }
0x1a: {  	_ =	swait.ge [sflag:s13], $0x1400  }
0x1b: {  	[sflag:s13] =	ssyncset.done $0x0  }
0x1c: {  	[sflag:s13] =	ssyncadd.s32 $0xFFFFEC00  }
0x1d: {  	_ =	swait.ge [sflag:s13], $0x1400  }
0x1e: {  	[sflag:s13] =	ssyncset.done $0x0  }
0x1f: {  	[sflag:s13] =	ssyncadd.s32 $0xFFFFEC00  }
0x20: {  	[tilespmem:s16], [sflag:$0x2] =	stream.indirect.gather [hbm4b:s1+s15], $0x80, s3, s15, $0xb8;
	[tilespmem:$0x1E800] =	vst v63  }
0x21: {  	s22 =	simm.s32 $0x80  }
0x22: {  	[tilespmem:s17], [sflag:$0x3] =	stream.indirect.gather [hbm4b:s1+s15], $0x80, s22, s15, $0xb8;
	[tilespmem:$0x1E800] =	vst v63  }
0x23: {  	_ =	swait.ge [sflag:s18], $0x4000  }
0x24: {  	[sflag:s18] =	ssyncset.done $0x0  }
0x25: {  	s31 =	simm.s32 $0x100;
	[sflag:s18] =	ssyncadd.s32 $0xFFFFC000  }
0x26: {  	[tilespmem:s16], [sflag:$0x2] =	stream.indirect.gather [hbm4b:s1+s15], $0x80, s31, s15, $0xb8;
	[tilespmem:$0x1E800] =	vst v63  }
0x27: {  	_ =	swait.ge [sflag:s19], $0x4000  }
0x28: {  	s23 =	simm.s32 $0xFFFFBC00;
	s22 =	simm.s32 $0xFFFFEE00;
	[sflag:s19] =	ssyncset.done $0x0  }
.LBB2_2:
0x29: {  	s24 =	sadd.s32 $0x1380, s22  }
0x2a: {  	[sflag:s19] =	ssyncadd.s32 $0xFFFFC000;
	s25 =	smov.u32 s23;
	s26 =	sadd.s32 $0x400, s23  }
0x2b: {  	[tilespmem:s17], [sflag:$0x3] =	stream.indirect.gather [hbm4b:s1+s15], $0x80, s24, s15, $0xb8;
	[tilespmem:$0x1E800] =	vst v63  }
0x2c: {  	p0 =	sne.s32 s23, $0xFFFFFC00;
	_ =	swait.ge [sflag:s18], $0x4000  }
.Ltmp0:
0x2d: {  	[sflag:s18] =	ssyncset.done $0x0;
	(pc) =	sbr.rel @p0 .LBB2_2-.Ltmp0, $4  }
0x2e: {  	s22 =	sadd.s32 $0x1400, s22;
	[sflag:s18] =	ssyncadd.s32 $0xFFFFC000  }
0x2f: {  	[tilespmem:s16], [sflag:$0x2] =	stream.indirect.gather [hbm4b:s1+s15], $0x80, s22, s15, $0xb8;
	[tilespmem:$0x1E800] =	vst v63  }
0x30: {  	_ =	swait.ge [sflag:s19], $0x4000  }
0x31: {  	s23 =	smov.u32 s26;
	s22 =	sshra.s32 s25, $0x2;
	[sflag:s19] =	ssyncset.done $0x0  }
0x32: {  	s23 =	sadd.s32 $0x1380, s22;
	[sflag:s19] =	ssyncadd.s32 $0xFFFFC000  }
0x33: {  	[tilespmem:s17], [sflag:$0x3] =	stream.indirect.gather [hbm4b:s1+s15], $0x80, s23, s15, $0xb8;
	[tilespmem:$0x1E800] =	vst v63  }
0x34: {  	_ =	swait.ge [sflag:s18], $0x4000  }
0x35: {  	[sflag:s18] =	ssyncset.done $0x0  }
0x36: {  	s29 =	sadd.s32 $0x1400, s22;
	[sflag:s18] =	ssyncadd.s32 $0xFFFFC000  }
0x37: {  	[tilespmem:s16], [sflag:$0x2] =	stream.indirect.gather [hbm4b:s1+s15], $0x80, s29, s15, $0xb8;
	[tilespmem:$0x1E800] =	vst v63  }
0x38: {  	_ =	swait.ge [sflag:s19], $0x4000  }
0x39: {  	[sflag:s19] =	ssyncset.done $0x0  }
0x3a: {  	[sflag:s19] =	ssyncadd.s32 $0xFFFFC000  }
0x3b: {  	[tilespmem:s17], [sflag:$0x3] =	stream.indirect.gather [hbm4b:s1+s15], $0x80, s20, s15, $0xb8;
	[tilespmem:$0x1E800] =	vst v63  }
0x3c: {  	_ =	swait.ge [sflag:s18], $0x4000  }
0x3d: {  	[sflag:s18] =	ssyncset.done $0x0  }
0x3e: {  	[sflag:s18] =	ssyncadd.s32 $0xFFFFC000  }
0x3f: {  	_ =	swait.ge [sflag:s19], $0x4000  }
0x40: {  	[sflag:s19] =	ssyncset.done $0x0  }
0x41: {  	[sflag:s19] =	ssyncadd.s32 $0xFFFFC000  }
0x42: {  	[tilespmem:s3], [sflag:$0x1] =	stream.linear.gather [hbm4b:s10+s3], $0x1400, $0x38;
	[tilespmem:$0x1E800] =	vst v63  }
0x43: {  	_ = 	snop  }
0x44: {  	[tilespmem:s14], [sflag:$0x1] =	stream.linear.gather [hbm4b:s11+s3], $0x1400, $0x38;
	[tilespmem:$0x1E800] =	vst v63  }
0x45: {  	_ =	swait.ge [sflag:s13], $0x1400  }
0x46: {  	[sflag:s13] =	ssyncset.done $0x0  }
0x47: {  	[sflag:s13] =	ssyncadd.s32 $0xFFFFEC00  }
0x48: {  	_ =	swait.ge [sflag:s13], $0x1400  }
0x49: {  	[sflag:s13] =	ssyncset.done $0x0  }
0x4a: {  	[sflag:s13] =	ssyncadd.s32 $0xFFFFEC00  }
0x4b: {  	[tilespmem:s16], [sflag:$0x2] =	stream.indirect.gather [hbm4b:s1+s15], $0x80, s3, s15, $0xb8;
	[tilespmem:$0x1E800] =	vst v63  }
0x4c: {  	s30 =	simm.s32 $0x80  }
0x4d: {  	[tilespmem:s17], [sflag:$0x3] =	stream.indirect.gather [hbm4b:s1+s15], $0x80, s30, s15, $0xb8;
	[tilespmem:$0x1E800] =	vst v63  }
0x4e: {  	_ =	swait.ge [sflag:s18], $0x4000  }
0x4f: {  	[sflag:s18] =	ssyncset.done $0x0  }
0x50: {  	s31 =	simm.s32 $0x100;
	[sflag:s18] =	ssyncadd.s32 $0xFFFFC000  }
0x51: {  	[tilespmem:s16], [sflag:$0x2] =	stream.indirect.gather [hbm4b:s1+s15], $0x80, s31, s15, $0xb8;
	[tilespmem:$0x1E800] =	vst v63  }
0x52: {  	_ =	swait.ge [sflag:s19], $0x4000  }
0x53: {  	s22 =	simm.s32 $0xFFFFEE00;
	s23 =	simm.s32 $0xFFFFBC00;
	[sflag:s19] =	ssyncset.done $0x0  }
.LBB2_4:
0x54: {  	s24 =	sadd.s32 $0x1380, s22  }
0x55: {  	[sflag:s19] =	ssyncadd.s32 $0xFFFFC000;
	s25 =	smov.u32 s23;
	s26 =	sadd.s32 $0x400, s23  }
0x56: {  	[tilespmem:s17], [sflag:$0x3] =	stream.indirect.gather [hbm4b:s1+s15], $0x80, s24, s15, $0xb8;
	[tilespmem:$0x1E800] =	vst v63  }
0x57: {  	p0 =	sne.s32 s23, $0xFFFFFC00;
	_ =	swait.ge [sflag:s18], $0x4000  }
.Ltmp1:
0x58: {  	[sflag:s18] =	ssyncset.done $0x0;
	(pc) =	sbr.rel @p0 .LBB2_4-.Ltmp1, $4  }
0x59: {  	s22 =	sadd.s32 $0x1400, s22;
	[sflag:s18] =	ssyncadd.s32 $0xFFFFC000  }
0x5a: {  	[tilespmem:s16], [sflag:$0x2] =	stream.indirect.gather [hbm4b:s1+s15], $0x80, s22, s15, $0xb8;
	[tilespmem:$0x1E800] =	vst v63  }
0x5b: {  	_ =	swait.ge [sflag:s19], $0x4000  }
0x5c: {  	s23 =	smov.u32 s26;
	s22 =	sshra.s32 s25, $0x2;
	[sflag:s19] =	ssyncset.done $0x0  }
0x5d: {  	s23 =	sadd.s32 $0x1380, s22;
	[sflag:s19] =	ssyncadd.s32 $0xFFFFC000  }
0x5e: {  	[tilespmem:s17], [sflag:$0x3] =	stream.indirect.gather [hbm4b:s1+s15], $0x80, s23, s15, $0xb8;
	[tilespmem:$0x1E800] =	vst v63  }
0x5f: {  	_ =	swait.ge [sflag:s18], $0x4000  }
0x60: {  	[sflag:s18] =	ssyncset.done $0x0  }
0x61: {  	s31 =	sadd.s32 $0x1400, s22;
	[sflag:s18] =	ssyncadd.s32 $0xFFFFC000  }
0x62: {  	[tilespmem:s16], [sflag:$0x2] =	stream.indirect.gather [hbm4b:s1+s15], $0x80, s31, s15, $0xb8;
	[tilespmem:$0x1E800] =	vst v63  }
0x63: {  	_ =	swait.ge [sflag:s19], $0x4000  }
0x64: {  	[sflag:s19] =	ssyncset.done $0x0  }
0x65: {  	[sflag:s19] =	ssyncadd.s32 $0xFFFFC000  }
0x66: {  	[tilespmem:s17], [sflag:$0x3] =	stream.indirect.gather [hbm4b:s1+s15], $0x80, s20, s15, $0xb8;
	[tilespmem:$0x1E800] =	vst v63  }
0x67: {  	_ =	swait.ge [sflag:s18], $0x4000  }
0x68: {  	[sflag:s18] =	ssyncset.done $0x0  }
0x69: {  	[sflag:s18] =	ssyncadd.s32 $0xFFFFC000  }
0x6a: {  	_ =	swait.ge [sflag:s19], $0x4000  }
0x6b: {  	s21 =	sadd.s32 $0x1, s21;
	[sflag:s19] =	ssyncset.done $0x0  }
0x6c: {  	p0 =	sne.s32 s21, s7;
	[sflag:s19] =	ssyncadd.s32 $0xFFFFC000  }
.Ltmp2:
0x6d: {  	[bflag:$0x0] =	sbarrier.arrive $0xFFFF;
	(pc) =	sbr.rel @p0 .LBB2_1-.Ltmp2, $4  }
0x6e: {  	[hbm:s6], [sflag:s5] =	dma.local [spmem:s12], $0x2800  }
0x6f: {  	_ =	swait.ge [sflag:s13], $0x2800  }
0x70: {  	[sflag:s13] =	ssyncset.done $0x0  }
0x71: {  	[sflag:s13] =	ssyncadd.s32 $0xFFFFD800  }
0x72: {  	_ =	sfence.sel $0x180000  }
0x73: {  	[bflag:$0x0] =	sbarrier.arrive $0xFFFF  }
0x74: {  	p0 =	sne.s32 s2, $0x0;
	_ =	strace $0x9000004A  }
0x75: {  	s0 =	sadd.s32 @!p0 $0x100000, s0;
	[bflag:$0x2] =	sbarrier.arrive $0xFFFF  }
0x76: {  	[sflag:s0] =	ssyncadd.tile.s32 @!p0 $0x1;
	_ =	shalt  }
.Lfunc_end2:
_tile_overlayer_lowered:
.L_overlay_start_2:
0x77: {  	(tag) =	ssettag $0x2  }
0x78: {  	s0 =	rddreg [dreg:$0x0];
	s2 =	stileid.u32  }
0x79: {  	s1 =	rddreg [dreg:$0x1];
	p0 =	sne.s32 s2, $0x0  }
0x7a: {  	s3 =	rddreg [dreg:$0x2];
	[bflag:$0x3] =	sbarrier.arrive $0xFFFF;
	s2 =	simm.s32 @!p0 $0x1C04  }
0x7b: {  	[timem:s3], [sflag:s2] =	dma.local @!p0 [hbm:s0], s1  }
0x7c: {  	s0 =	simm.s32 @!p0 $0x4  }
0x7d: {  	_ =	swait.ge @!p0 [sflag:s0], s1  }
0x7e: {  	s1 =	ssub.s32 @!p0 $0x0, s1;
	[sflag:s0] =	ssyncset.done @!p0 $0x0  }
0x7f: {  	[sflag:s0] =	ssyncadd.s32 @!p0 s1  }
0x80: {  	[bflag:$0x3] =	sbarrier.arrive $0xFFFF  }
0x81: {  	_ =	shalt  }

</sc_bundles>
